<compile_context>
chip_gen: v7x
topology: tpu7x:2x2x1
jax: 0.10.2.dev20260603
libtpu: 0.0.44.dev20260713+nightly
codegen_flags: <defaults>
</compile_context>

<pallas_src>
import jax
import jax.numpy as jnp
from jax import lax
from jax.experimental import pallas as pl
from jax.experimental.pallas import tpu as pltpu
from jax.experimental.pallas import tpu_sc as plsc

NC = 2
NS = 16
CH = 40
NEG = -1e30


def _node_kernel(x_ref, w1_ref, a_ref, ps_ref, pt_ref, t2_ref, mx_ref):
    x = x_ref[...]
    w1 = w1_ref[...]
    a = a_ref[...]
    ws = w1[:, :128]
    wt = w1[:, 128:256]
    dn = (((1,), (1,)), ((), ()))
    ps = lax.dot_general(x, ws, dn, preferred_element_type=jnp.float32)
    pt = lax.dot_general(x, wt, dn, preferred_element_type=jnp.float32)
    da = (((1,), (0,)), ((), ()))
    ss = lax.dot_general(ps, a, da, preferred_element_type=jnp.float32)
    st = lax.dot_general(pt, a, da, preferred_element_type=jnp.float32)
    ps_ref[...] = jnp.concatenate([ps, ss, ss], axis=1)
    pt_ref[...] = pt
    t2_ref[...] = jnp.concatenate([st, st], axis=1)
    pad = jnp.full((1, 112), NEG, jnp.float32)
    row = jnp.concatenate([jnp.max(ss, axis=0, keepdims=True),
                           jnp.max(st, axis=0, keepdims=True), pad], axis=1)
    mx_ref[...] = row.reshape(1, 1, 128)


def _edge_kernel(r_ref, w1r_ref, rw_ref, a_ref, c_ref, mx_ref):
    r = r_ref[...]
    w1r = w1r_ref[...]
    rw = rw_ref[...]
    a = a_ref[...]
    wc = lax.dot_general(w1r, rw, (((1,), (0,)), ((), ())),
                         preferred_element_type=jnp.float32)
    c = lax.dot_general(r, wc, (((1,), (1,)), ((), ())),
                        preferred_element_type=jnp.float32)
    sr = lax.dot_general(c, a, (((1,), (0,)), ((), ())),
                         preferred_element_type=jnp.float32)
    c_ref[...] = jnp.concatenate([c, sr, sr], axis=1)
    pad = jnp.full((1, 120), NEG, jnp.float32)
    row = jnp.concatenate([jnp.max(sr, axis=0, keepdims=True), pad], axis=1)
    mx_ref[...] = row.reshape(1, 1, 128)


def _sc_kernel(src_hbm, tgt_hbm, psx_hbm, t2_hbm, cpk_hbm, mv_hbm,
               zrow_hbm, u_hbm,
               idxs0, idxs1, idxt0, idxt1,
               g20, g21,
               psxb0, psxb1, cpkb0, cpkb1, ybuf0, ybuf1, mv_v,
               u_sh,
               semL1_0, semL1_1, semL2_0, semL2_1):
    cid = lax.axis_index("c")
    sid = lax.axis_index("s")
    n = psx_hbm.shape[0]
    e_total = src_hbm.shape[0]
    e_sc = e_total // NC
    nch_sc = e_sc // CH
    ncht = nch_sc // NS
    npairs = ncht // 2
    idxs = (idxs0, idxs1)
    idxt = (idxt0, idxt1)
    g2 = (g20, g21)
    psxb = (psxb0, psxb1)
    cpkb = (cpkb0, cpkb1)
    ybuf = (ybuf0, ybuf1)
    semL1 = (semL1_0, semL1_1)
    semL2 = (semL2_0, semL2_1)
    sc_base = cid * e_sc

    nr = (n // NS) // 8 * 8
    r0 = sid * nr
    t0 = nr * NS
    nt = n - t0

    pltpu.sync_copy(zrow_hbm.at[pl.ds(r0, nr)], u_sh.at[pl.ds(r0, nr)])

    @pl.when(sid == NS - 1)
    def _init_tail():
        pltpu.sync_copy(zrow_hbm.at[pl.ds(t0, nt)], u_sh.at[pl.ds(t0, nt)])

    pltpu.sync_copy(mv_hbm, mv_v)
    plsc.subcore_barrier()

    def issue_l1(b, j):
        base = sc_base + (j * NS + sid) * CH
        pltpu.async_copy(src_hbm.at[pl.ds(base, CH)], idxs[b], semL1[b])
        pltpu.async_copy(tgt_hbm.at[pl.ds(base, CH)], idxt[b], semL1[b])
        pltpu.async_copy(cpk_hbm.at[pl.ds(base, CH)], cpkb[b], semL1[b])

    def wait_l1(b):
        pltpu.make_async_copy(src_hbm.at[pl.ds(0, CH)], idxs[b], semL1[b]).wait()
        pltpu.make_async_copy(tgt_hbm.at[pl.ds(0, CH)], idxt[b], semL1[b]).wait()
        pltpu.make_async_copy(cpk_hbm.at[pl.ds(0, CH)], cpkb[b], semL1[b]).wait()

    def issue_l2(b):
        pltpu.async_copy(psx_hbm.at[idxs[b]], psxb[b], semL2[b])
        pltpu.async_copy(t2_hbm.at[idxt[b]], g2[b], semL2[b])

    def wait_l2(b):
        pltpu.make_async_copy(psx_hbm.at[idxs[b]], psxb[b], semL2[b]).wait()
        pltpu.make_async_copy(t2_hbm.at[idxt[b]], g2[b], semL2[b]).wait()

    def compute(b):
        mreg = mv_v[...]

        def edge_body(e, c2):
            sc = psxb[b][e, pl.ds(128, 16)] + g2[b][e, :] + cpkb[b][e, pl.ds(128, 16)]
            sc = jnp.where(sc > 0, sc, 0.2 * sc)
            ex = jnp.exp(sc - mreg)
            ybuf[b][e, pl.ds(128, 16)] = ex
            for h in range(8):
                eh = jnp.full((16,), ex[h], jnp.float32)
                blk = psxb[b][e, pl.ds(h * 16, 16)] + cpkb[b][e, pl.ds(h * 16, 16)]
                ybuf[b][e, pl.ds(h * 16, 16)] = blk * eh
            return c2

        lax.fori_loop(0, CH, edge_body, 0)

    def issue_sc(b):
        pltpu.sync_copy(ybuf[b], u_sh.at[idxt[b]], add=True)

    issue_l1(0, 0)
    issue_l1(1, 1)
    wait_l1(0)
    issue_l2(0)

    def pair_body(k, carry):
        wait_l2(0)

        wait_l1(1)
        issue_l2(1)

        compute(0)
        issue_sc(0)

        @pl.when(k < npairs - 1)
        def _():
            issue_l1(0, 2 * k + 2)

        wait_l2(1)

        @pl.when(k < npairs - 1)
        def _():
            wait_l1(0)
            issue_l2(0)

        compute(1)
        issue_sc(1)

        @pl.when(k < npairs - 1)
        def _():
            issue_l1(1, 2 * k + 3)

        return carry

    lax.fori_loop(0, npairs, pair_body, 0)

    nrem = nch_sc - ncht * NS

    @pl.when(sid < nrem)
    def _remainder():
        issue_l1(0, ncht)
        wait_l1(0)
        issue_l2(0)
        wait_l2(0)
        compute(0)
        issue_sc(0)

    plsc.subcore_barrier()
    pltpu.sync_copy(u_sh.at[pl.ds(r0, nr)], u_hbm.at[cid, pl.ds(r0, nr)])

    @pl.when(sid == NS - 1)
    def _export_tail():
        pltpu.sync_copy(u_sh.at[pl.ds(t0, nt)], u_hbm.at[cid, pl.ds(t0, nt)])


def _combine_kernel(u_ref, pt_ref, b_ref, o_ref):
    blk = u_ref[0] + u_ref[1]
    u = blk[:, :128]
    srep = jnp.repeat(blk[:, 128:136], 16, axis=1)
    o_ref[...] = (u + srep * pt_ref[...]) / (srep + 1e-16) + b_ref[0][None, :]


def kernel(inp, relation_inp, dep_rel_pos_edge, word_rel_pos_edge, deprel_edge,
           deprel_ext_edge, deparc_edge, edge_index, dist_edge, deprel_path_edge,
           deparc_path_edge, path_len_edge, deprel_ext_path_edge,
           W1, weight2, rel_weight, final_bias):
    f32 = jnp.float32
    n, d = inp.shape
    e, r = relation_inp.shape
    h, dv, _ = weight2.shape
    w = d + 16

    w2v = weight2[..., 0]
    A = (w2v[:, :, None] * jnp.eye(h, dtype=f32)[:, None, :]).reshape(h * dv, h)

    bn = 1000
    ga = n // bn
    PSX, PT, T2, MXA = pl.pallas_call(
        _node_kernel,
        grid=(ga,),
        in_specs=[pl.BlockSpec((bn, d), lambda i: (i, 0)),
                  pl.BlockSpec((h * dv, 2 * d + r), lambda i: (0, 0)),
                  pl.BlockSpec((h * dv, h), lambda i: (0, 0))],
        out_specs=[pl.BlockSpec((bn, w), lambda i: (i, 0)),
                   pl.BlockSpec((bn, d), lambda i: (i, 0)),
                   pl.BlockSpec((bn, 16), lambda i: (i, 0)),
                   pl.BlockSpec((1, 1, 128), lambda i: (i, 0, 0))],
        out_shape=[jax.ShapeDtypeStruct((n, w), f32),
                   jax.ShapeDtypeStruct((n, d), f32),
                   jax.ShapeDtypeStruct((n, 16), f32),
                   jax.ShapeDtypeStruct((ga, 1, 128), f32)],
    )(inp, W1, A)

    be = 8000
    gb = e // be
    CPK, MXB = pl.pallas_call(
        _edge_kernel,
        grid=(gb,),
        in_specs=[pl.BlockSpec((be, r), lambda i: (i, 0)),
                  pl.BlockSpec((h * dv, r), lambda i: (0, 0)),
                  pl.BlockSpec((r, r), lambda i: (0, 0)),
                  pl.BlockSpec((h * dv, h), lambda i: (0, 0))],
        out_specs=[pl.BlockSpec((be, w), lambda i: (i, 0)),
                   pl.BlockSpec((1, 1, 128), lambda i: (i, 0, 0))],
        out_shape=[jax.ShapeDtypeStruct((e, w), f32),
                   jax.ShapeDtypeStruct((gb, 1, 128), f32)],
    )(relation_inp, W1[:, 2 * d:], rel_weight, A)

    mA = jnp.max(MXA[:, 0, :], axis=0)
    mB = jnp.max(MXB[:, 0, :], axis=0)
    m_raw = jnp.max(mA[:8] + mA[8:16] + mB[:8])
    m = jnp.where(m_raw > 0, m_raw, 0.2 * m_raw)
    mvec = jnp.full((16,), m, f32)

    mesh = plsc.VectorSubcoreMesh(core_axis_name="c", subcore_axis_name="s",
                                  num_cores=NC, num_subcores=NS)
    scatter = pl.kernel(
        _sc_kernel,
        out_type=jax.ShapeDtypeStruct((NC, n, w), f32),
        mesh=mesh,
        compiler_params=pltpu.CompilerParams(use_tc_tiling_on_sc=False),
        scratch_types=(
            [pltpu.VMEM((CH,), jnp.int32)] * 4 +
            [pltpu.VMEM((CH, 16), f32)] * 2 +
            [pltpu.VMEM((CH, w), f32)] * 6 +
            [pltpu.VMEM((16,), f32),
             pltpu.VMEM_SHARED((n, w), f32)] +
            [pltpu.SemaphoreType.DMA] * 4
        ),
    )
    U = scatter(edge_index[0], edge_index[1], PSX, T2, CPK, mvec,
                jnp.zeros((n, w), f32))

    bias2 = jnp.broadcast_to(final_bias, (8, d))
    out = pl.pallas_call(
        _combine_kernel,
        grid=(ga,),
        in_specs=[pl.BlockSpec((NC, bn, w), lambda i: (0, i, 0)),
                  pl.BlockSpec((bn, d), lambda i: (i, 0)),
                  pl.BlockSpec((8, d), lambda i: (0, 0))],
        out_specs=pl.BlockSpec((bn, d), lambda i: (i, 0)),
        out_shape=jax.ShapeDtypeStruct((n, d), f32),
    )(U, PT, bias2)
    return out

# --- scband reference (transcript-rebuilt; emitter-appended) ---
"""Pipeline reference for scband-kbgat-39805756900141 (READ-ONLY COPY).

The authoritative reference and input builder live on the scoring server;
editing this copy changes nothing except your own understanding.
"""

import jax, jax.numpy as jnp
import numpy as np

N = 10000
E = 320000
D = 128
H = 8
DV = 16
R = 32

def setup_inputs(seed: int = 0) -> dict:
    key = jax.random.key(seed)
    ks = jax.random.split(key, 16)
    inp = jax.random.normal(ks[0], (N, D), dtype=jnp.float32)
    relation_inp = jax.random.normal(ks[1], (E, R), dtype=jnp.float32)
    dep_rel_pos_edge = jax.random.randint(ks[2], (E,), 0, 1, dtype=jnp.int32)
    word_rel_pos_edge = jax.random.randint(ks[3], (E,), 0, 1, dtype=jnp.int32)
    deprel_edge = jax.random.randint(ks[4], (E,), 0, 50, dtype=jnp.int32)
    deprel_ext_edge = jax.random.randint(ks[5], (E,), 0, 100, dtype=jnp.int32)
    deparc_edge = jax.random.randint(ks[6], (E,), 0, 4, dtype=jnp.int32)
    edge_index = jax.random.randint(ks[7], (2, E), 0, N, dtype=jnp.int32)
    dist_edge = jax.random.randint(ks[8], (E,), 0, 10, dtype=jnp.int32)
    deprel_path_edge = jax.random.randint(ks[9], (E, 5), 0, 50, dtype=jnp.int32)
    deparc_path_edge = jax.random.randint(ks[10], (E, 5), 0, 4, dtype=jnp.int32)
    path_len_edge = jax.random.randint(ks[11], (E,), 0, 5, dtype=jnp.int32)
    deprel_ext_path_edge = jax.random.randint(ks[12], (E, 5), 0, 100, dtype=jnp.int32)
    # learned parameters (xavier-like scaling)
    W1 = jax.random.normal(ks[13], (H * DV, 2 * D + R), dtype=jnp.float32) * (1.0 / np.sqrt(2 * D + R))
    weight2 = jax.random.normal(ks[14], (H, DV, 1), dtype=jnp.float32) * (1.0 / np.sqrt(DV))
    rel_weight = jax.random.normal(ks[15], (R, R), dtype=jnp.float32) * (1.0 / np.sqrt(R))
    final_bias = jnp.zeros((D,), dtype=jnp.float32)
    return {
        'inp': inp, 'relation_inp': relation_inp,
        'dep_rel_pos_edge': dep_rel_pos_edge, 'word_rel_pos_edge': word_rel_pos_edge,
        'deprel_edge': deprel_edge, 'deprel_ext_edge': deprel_ext_edge, 'deparc_edge': deparc_edge,
        'edge_index': edge_index, 'dist_edge': dist_edge,
        'deprel_path_edge': deprel_path_edge, 'deparc_path_edge': deparc_path_edge,
        'path_len_edge': path_len_edge, 'deprel_ext_path_edge': deprel_ext_path_edge,
        'W1': W1, 'weight2': weight2, 'rel_weight': rel_weight, 'final_bias': final_bias,
    }

def _leaky_relu(x, slope=0.2):
    return jnp.where(x > 0, x, slope * x)

def reference(inp, relation_inp, dep_rel_pos_edge, word_rel_pos_edge, deprel_edge,
              deprel_ext_edge, deparc_edge, edge_index, dist_edge, deprel_path_edge,
              deparc_path_edge, path_len_edge, deprel_ext_path_edge,
              W1, weight2, rel_weight, final_bias):
    # layer_num > 0: relation_inp is provided directly (embedding construction skipped)
    num_nodes = inp.shape[0]
    src = edge_index[0]
    tgt = edge_index[1]
    # relation projection (rel_weight linear, no bias)
    rel = relation_inp @ rel_weight.T
    # per-edge feature: [h_src || h_tgt || relation]
    edge_feat = jnp.concatenate([jnp.take(inp, src, axis=0), jnp.take(inp, tgt, axis=0), rel], axis=-1)
    # weight1: (2*model_dim + relation_dim) -> num_heads * d_v
    proj = (edge_feat @ W1.T).reshape(-1, H, DV)
    # per-head attention logits via weight2 [H, d_v, 1]
    scores = jnp.einsum('ehd,hd->eh', proj, weight2[..., 0])
    scores = _leaky_relu(scores, 0.2)
    # neighborhood-aware softmax over incoming edges of each target node
    scores = scores - jnp.max(scores)
    exp_scores = jnp.exp(scores)
    neighbor_sum = jax.ops.segment_sum(exp_scores, tgt, num_segments=num_nodes)
    att = exp_scores / (jnp.take(neighbor_sum, tgt, axis=0) + 1e-16)
    # dropout p=0.0 -> identity
    weighted = proj * att[:, :, None]
    out = jax.ops.segment_sum(weighted, tgt, num_segments=num_nodes)
    # concat heads
    out = out.reshape(num_nodes, H * DV)
    # final bias
    out = out + final_bias
    return out

if __name__ == "__main__":
    import jax
    _d = setup_inputs()
    print(jax.jit(kernel)(*tuple(_d.values())))

</pallas_src>

<mosaic_0001>
#map = affine_map<(d0, d1) -> (0)>
#map1 = affine_map<(d0, d1) -> (0, 0)>
#map2 = affine_map<(d0, d1) -> (0, 0, 0)>
module attributes {stable_mosaic.version = 14 : i64} {
  func.func @_sc_kernel(%arg0: i32, %arg1: i32, %arg2: memref<320000xi32, #tpu.memory_space<hbm>>, %arg3: memref<320000xi32, #tpu.memory_space<hbm>>, %arg4: memref<10000x144xf32, #tpu.memory_space<hbm>>, %arg5: memref<10000x16xf32, #tpu.memory_space<hbm>>, %arg6: memref<320000x144xf32, #tpu.memory_space<hbm>>, %arg7: memref<16xf32, #tpu.memory_space<hbm>>, %arg8: memref<10000x144xf32, #tpu.memory_space<hbm>>, %arg9: memref<2x10000x144xf32, #tpu.memory_space<hbm>>, %arg10: memref<40xi32, #tpu.memory_space<vmem>>, %arg11: memref<40xi32, #tpu.memory_space<vmem>>, %arg12: memref<40xi32, #tpu.memory_space<vmem>>, %arg13: memref<40xi32, #tpu.memory_space<vmem>>, %arg14: memref<40x16xf32, #tpu.memory_space<vmem>>, %arg15: memref<40x16xf32, #tpu.memory_space<vmem>>, %arg16: memref<40x144xf32, #tpu.memory_space<vmem>>, %arg17: memref<40x144xf32, #tpu.memory_space<vmem>>, %arg18: memref<40x144xf32, #tpu.memory_space<vmem>>, %arg19: memref<40x144xf32, #tpu.memory_space<vmem>>, %arg20: memref<40x144xf32, #tpu.memory_space<vmem>>, %arg21: memref<40x144xf32, #tpu.memory_space<vmem>>, %arg22: memref<16xf32, #tpu.memory_space<vmem>>, %arg23: memref<10000x144xf32, #tpu.memory_space<vmem_shared>>, %arg24: memref<!tpu.dma_semaphore, #tpu.memory_space<semaphore_mem>>, %arg25: memref<!tpu.dma_semaphore, #tpu.memory_space<semaphore_mem>>, %arg26: memref<!tpu.dma_semaphore, #tpu.memory_space<semaphore_mem>>, %arg27: memref<!tpu.dma_semaphore, #tpu.memory_space<semaphore_mem>>) attributes {dimension_semantics = [#tpu.dimension_semantics<core_parallel>, #tpu.dimension_semantics<subcore_parallel>], iteration_bounds = array<i64: 2, 16>, scalar_prefetch = 0 : i64, scratch_operands = 18 : i64, tpu.core_type = #tpu.core_type<sc_vector_subcore>, window_params = [{transform_indices = #map}, {transform_indices = #map}, {transform_indices = #map1}, {transform_indices = #map1}, {transform_indices = #map1}, {transform_indices = #map}, {transform_indices = #map1}, {transform_indices = #map2}]} {
    %mul3A = arith.constant 160000 : i32
    %mul3A_0 = arith.muli %arg0, %mul3A : i32
    %mul3A_1 = arith.constant 624 : i32
    %mul3A_2 = arith.muli %arg1, %mul3A_1 : i32
    "tpu.region"() ({
      %run_scoped3A = tpu.sem_alloc : memref<!tpu.dma_semaphore, #tpu.memory_space<semaphore_mem>>
      %dma_start3A_63 = arith.constant 0 : i32
      %dma_start3A_64 = tpu.memref_slice %arg23[%mul3A_2, %dma_start3A_63] : memref<10000x144xf32, #tpu.memory_space<vmem_shared>> -> memref<624x144xf32, #tpu.memory_space<vmem_shared>>
      %dma_start3A_65 = arith.constant 0 : i32
      %dma_start3A_66 = tpu.memref_slice %arg8[%mul3A_2, %dma_start3A_65] : memref<10000x144xf32, #tpu.memory_space<hbm>> -> memref<624x144xf32, #tpu.memory_space<hbm>>
      tpu.enqueue_dma source(%dma_start3A_66 : memref<624x144xf32, #tpu.memory_space<hbm>>) target(%dma_start3A_64 : memref<624x144xf32, #tpu.memory_space<vmem_shared>>) target_semaphore(%run_scoped3A : memref<!tpu.dma_semaphore, #tpu.memory_space<semaphore_mem>>)
      %dma_wait3A_67 = arith.constant 0 : i32
      %dma_wait3A_68 = tpu.memref_slice %arg23[%mul3A_2, %dma_wait3A_67] : memref<10000x144xf32, #tpu.memory_space<vmem_shared>> -> memref<624x144xf32, #tpu.memory_space<vmem_shared>>
      %dma_wait3A_69 = arith.constant 0 : i32
      %dma_wait3A_70 = tpu.memref_slice %arg8[%mul3A_2, %dma_wait3A_69] : memref<10000x144xf32, #tpu.memory_space<hbm>> -> memref<624x144xf32, #tpu.memory_space<hbm>>
      tpu.wait_dma2 semaphore(%run_scoped3A : memref<!tpu.dma_semaphore, #tpu.memory_space<semaphore_mem>>) src(%dma_wait3A_70 : memref<624x144xf32, #tpu.memory_space<hbm>>) dst(%dma_wait3A_68 : memref<624x144xf32, #tpu.memory_space<vmem_shared>>)
      tpu.yield
    }) : () -> ()
    %eq3A = arith.constant 15 : i32
    %eq3A_3 = arith.cmpi eq, %arg1, %eq3A : i32
    %convert_element_type3A = arith.extui %eq3A_3 : i1 to i32
    %cond3A = arith.constant 0 : i32
    %cond3A_4 = arith.cmpi ne, %convert_element_type3A, %cond3A : i32
    scf.if %cond3A_4 {
      "tpu.region"() ({
        %run_scoped3A = tpu.sem_alloc : memref<!tpu.dma_semaphore, #tpu.memory_space<semaphore_mem>>
        %dma_start3A_63 = arith.constant 9984 : i32
        %dma_start3A_64 = arith.constant 0 : i32
        %dma_start3A_65 = tpu.memref_slice %arg23[%dma_start3A_63, %dma_start3A_64] : memref<10000x144xf32, #tpu.memory_space<vmem_shared>> -> memref<16x144xf32, #tpu.memory_space<vmem_shared>>
        %dma_start3A_66 = arith.constant 9984 : i32
        %dma_start3A_67 = arith.constant 0 : i32
        %dma_start3A_68 = tpu.memref_slice %arg8[%dma_start3A_66, %dma_start3A_67] : memref<10000x144xf32, #tpu.memory_space<hbm>> -> memref<16x144xf32, #tpu.memory_space<hbm>>
        tpu.enqueue_dma source(%dma_start3A_68 : memref<16x144xf32, #tpu.memory_space<hbm>>) target(%dma_start3A_65 : memref<16x144xf32, #tpu.memory_space<vmem_shared>>) target_semaphore(%run_scoped3A : memref<!tpu.dma_semaphore, #tpu.memory_space<semaphore_mem>>)
        %dma_wait3A_69 = arith.constant 9984 : i32
        %dma_wait3A_70 = arith.constant 0 : i32
        %dma_wait3A_71 = tpu.memref_slice %arg23[%dma_wait3A_69, %dma_wait3A_70] : memref<10000x144xf32, #tpu.memory_space<vmem_shared>> -> memref<16x144xf32, #tpu.memory_space<vmem_shared>>
        %dma_wait3A_72 = arith.constant 9984 : i32
        %dma_wait3A_73 = arith.constant 0 : i32
        %dma_wait3A_74 = tpu.memref_slice %arg8[%dma_wait3A_72, %dma_wait3A_73] : memref<10000x144xf32, #tpu.memory_space<hbm>> -> memref<16x144xf32, #tpu.memory_space<hbm>>
        tpu.wait_dma2 semaphore(%run_scoped3A : memref<!tpu.dma_semaphore, #tpu.memory_space<semaphore_mem>>) src(%dma_wait3A_74 : memref<16x144xf32, #tpu.memory_space<hbm>>) dst(%dma_wait3A_71 : memref<16x144xf32, #tpu.memory_space<vmem_shared>>)
        tpu.yield
      }) : () -> ()
    } else {
    }
    "tpu.region"() ({
      %run_scoped3A = tpu.sem_alloc : memref<!tpu.dma_semaphore, #tpu.memory_space<semaphore_mem>>
      tpu.enqueue_dma source(%arg7 : memref<16xf32, #tpu.memory_space<hbm>>) target(%arg22 : memref<16xf32, #tpu.memory_space<vmem>>) target_semaphore(%run_scoped3A : memref<!tpu.dma_semaphore, #tpu.memory_space<semaphore_mem>>)
      tpu.wait_dma2 semaphore(%run_scoped3A : memref<!tpu.dma_semaphore, #tpu.memory_space<semaphore_mem>>) src(%arg7 : memref<16xf32, #tpu.memory_space<hbm>>) dst(%arg22 : memref<16xf32, #tpu.memory_space<vmem>>)
      tpu.yield
    }) : () -> ()
    %barrier3A = arith.constant 0 : index
    tpu.barrier barrier_id(%barrier3A)
    %add3A = arith.constant 0 : i32
    %add3A_5 = arith.addi %add3A, %arg1 : i32
    %mul3A_6 = arith.constant 40 : i32
    %mul3A_7 = arith.muli %add3A_5, %mul3A_6 : i32
    %add3A_8 = arith.addi %mul3A_0, %mul3A_7 : i32
    %dma_start3A = tpu.memref_slice %arg2[%add3A_8] : memref<320000xi32, #tpu.memory_space<hbm>> -> memref<40xi32, #tpu.memory_space<hbm>>
    %dma_start3A_9 = tpu.memref_slice %arg2[%add3A_8] : memref<320000xi32, #tpu.memory_space<hbm>> -> memref<40xi32, #tpu.memory_space<hbm>>
    tpu.enqueue_dma source(%dma_start3A_9 : memref<40xi32, #tpu.memory_space<hbm>>) target(%arg10 : memref<40xi32, #tpu.memory_space<vmem>>) target_semaphore(%arg24 : memref<!tpu.dma_semaphore, #tpu.memory_space<semaphore_mem>>)
    %dma_start3A_10 = tpu.memref_slice %arg3[%add3A_8] : memref<320000xi32, #tpu.memory_space<hbm>> -> memref<40xi32, #tpu.memory_space<hbm>>
    %dma_start3A_11 = tpu.memref_slice %arg3[%add3A_8] : memref<320000xi32, #tpu.memory_space<hbm>> -> memref<40xi32, #tpu.memory_space<hbm>>
    tpu.enqueue_dma source(%dma_start3A_11 : memref<40xi32, #tpu.memory_space<hbm>>) target(%arg12 : memref<40xi32, #tpu.memory_space<vmem>>) target_semaphore(%arg24 : memref<!tpu.dma_semaphore, #tpu.memory_space<semaphore_mem>>)
    %dma_start3A_12 = arith.constant 0 : i32
    %dma_start3A_13 = tpu.memref_slice %arg6[%add3A_8, %dma_start3A_12] : memref<320000x144xf32, #tpu.memory_space<hbm>> -> memref<40x144xf32, #tpu.memory_space<hbm>>
    %dma_start3A_14 = arith.constant 0 : i32
    %dma_start3A_15 = tpu.memref_slice %arg6[%add3A_8, %dma_start3A_14] : memref<320000x144xf32, #tpu.memory_space<hbm>> -> memref<40x144xf32, #tpu.memory_space<hbm>>
    tpu.enqueue_dma source(%dma_start3A_15 : memref<40x144xf32, #tpu.memory_space<hbm>>) target(%arg18 : memref<40x144xf32, #tpu.memory_space<vmem>>) target_semaphore(%arg24 : memref<!tpu.dma_semaphore, #tpu.memory_space<semaphore_mem>>)
    %add3A_16 = arith.constant 16 : i32
    %add3A_17 = arith.addi %add3A_16, %arg1 : i32
    %mul3A_18 = arith.constant 40 : i32
    %mul3A_19 = arith.muli %add3A_17, %mul3A_18 : i32
    %add3A_20 = arith.addi %mul3A_0, %mul3A_19 : i32
    %dma_start3A_21 = tpu.memref_slice %arg2[%add3A_20] : memref<320000xi32, #tpu.memory_space<hbm>> -> memref<40xi32, #tpu.memory_space<hbm>>
    %dma_start3A_22 = tpu.memref_slice %arg2[%add3A_20] : memref<320000xi32, #tpu.memory_space<hbm>> -> memref<40xi32, #tpu.memory_space<hbm>>
    tpu.enqueue_dma source(%dma_start3A_22 : memref<40xi32, #tpu.memory_space<hbm>>) target(%arg11 : memref<40xi32, #tpu.memory_space<vmem>>) target_semaphore(%arg25 : memref<!tpu.dma_semaphore, #tpu.memory_space<semaphore_mem>>)
    %dma_start3A_23 = tpu.memref_slice %arg3[%add3A_20] : memref<320000xi32, #tpu.memory_space<hbm>> -> memref<40xi32, #tpu.memory_space<hbm>>
    %dma_start3A_24 = tpu.memref_slice %arg3[%add3A_20] : memref<320000xi32, #tpu.memory_space<hbm>> -> memref<40xi32, #tpu.memory_space<hbm>>
    tpu.enqueue_dma source(%dma_start3A_24 : memref<40xi32, #tpu.memory_space<hbm>>) target(%arg13 : memref<40xi32, #tpu.memory_space<vmem>>) target_semaphore(%arg25 : memref<!tpu.dma_semaphore, #tpu.memory_space<semaphore_mem>>)
    %dma_start3A_25 = arith.constant 0 : i32
    %dma_start3A_26 = tpu.memref_slice %arg6[%add3A_20, %dma_start3A_25] : memref<320000x144xf32, #tpu.memory_space<hbm>> -> memref<40x144xf32, #tpu.memory_space<hbm>>
    %dma_start3A_27 = arith.constant 0 : i32
    %dma_start3A_28 = tpu.memref_slice %arg6[%add3A_20, %dma_start3A_27] : memref<320000x144xf32, #tpu.memory_space<hbm>> -> memref<40x144xf32, #tpu.memory_space<hbm>>
    tpu.enqueue_dma source(%dma_start3A_28 : memref<40x144xf32, #tpu.memory_space<hbm>>) target(%arg19 : memref<40x144xf32, #tpu.memory_space<vmem>>) target_semaphore(%arg25 : memref<!tpu.dma_semaphore, #tpu.memory_space<semaphore_mem>>)
    %dma_wait3A = arith.constant 0 : i32
    %dma_wait3A_29 = tpu.memref_slice %arg2[%dma_wait3A] : memref<320000xi32, #tpu.memory_space<hbm>> -> memref<40xi32, #tpu.memory_space<hbm>>
    %dma_wait3A_30 = arith.constant 0 : i32
    %dma_wait3A_31 = tpu.memref_slice %arg2[%dma_wait3A_30] : memref<320000xi32, #tpu.memory_space<hbm>> -> memref<40xi32, #tpu.memory_space<hbm>>
    tpu.wait_dma2 semaphore(%arg24 : memref<!tpu.dma_semaphore, #tpu.memory_space<semaphore_mem>>) src(%dma_wait3A_31 : memref<40xi32, #tpu.memory_space<hbm>>) dst(%arg10 : memref<40xi32, #tpu.memory_space<vmem>>)
    %dma_wait3A_32 = arith.constant 0 : i32
    %dma_wait3A_33 = tpu.memref_slice %arg3[%dma_wait3A_32] : memref<320000xi32, #tpu.memory_space<hbm>> -> memref<40xi32, #tpu.memory_space<hbm>>
    %dma_wait3A_34 = arith.constant 0 : i32
    %dma_wait3A_35 = tpu.memref_slice %arg3[%dma_wait3A_34] : memref<320000xi32, #tpu.memory_space<hbm>> -> memref<40xi32, #tpu.memory_space<hbm>>
    tpu.wait_dma2 semaphore(%arg24 : memref<!tpu.dma_semaphore, #tpu.memory_space<semaphore_mem>>) src(%dma_wait3A_35 : memref<40xi32, #tpu.memory_space<hbm>>) dst(%arg12 : memref<40xi32, #tpu.memory_space<vmem>>)
    %dma_wait3A_36 = arith.constant 0 : i32
    %dma_wait3A_37 = arith.constant 0 : i32
    %dma_wait3A_38 = tpu.memref_slice %arg6[%dma_wait3A_36, %dma_wait3A_37] : memref<320000x144xf32, #tpu.memory_space<hbm>> -> memref<40x144xf32, #tpu.memory_space<hbm>>
    %dma_wait3A_39 = arith.constant 0 : i32
    %dma_wait3A_40 = arith.constant 0 : i32
    %dma_wait3A_41 = tpu.memref_slice %arg6[%dma_wait3A_39, %dma_wait3A_40] : memref<320000x144xf32, #tpu.memory_space<hbm>> -> memref<40x144xf32, #tpu.memory_space<hbm>>
    tpu.wait_dma2 semaphore(%arg24 : memref<!tpu.dma_semaphore, #tpu.memory_space<semaphore_mem>>) src(%dma_wait3A_41 : memref<40x144xf32, #tpu.memory_space<hbm>>) dst(%arg18 : memref<40x144xf32, #tpu.memory_space<vmem>>)
    %dma_start3A_42 = arith.constant 0 : i32
    %dma_start3A_43 = arith.constant 0 : i32
    %dma_start3A_44 = tpu.memref_slice %arg4[%dma_start3A_42, %dma_start3A_43] : memref<10000x144xf32, #tpu.memory_space<hbm>> -> memref<10000x144xf32, #tpu.memory_space<hbm>>
    tpu.enqueue_indirect_dma source(%dma_start3A_44 : memref<10000x144xf32, #tpu.memory_space<hbm>>) target(%arg16 : memref<40x144xf32, #tpu.memory_space<vmem>>) offsets(%arg10 : memref<40xi32, #tpu.memory_space<vmem>>) semaphore(%arg26 : memref<!tpu.dma_semaphore, #tpu.memory_space<semaphore_mem>>)
    %dma_start3A_45 = arith.constant 0 : i32
    %dma_start3A_46 = arith.constant 0 : i32
    %dma_start3A_47 = tpu.memref_slice %arg5[%dma_start3A_45, %dma_start3A_46] : memref<10000x16xf32, #tpu.memory_space<hbm>> -> memref<10000x16xf32, #tpu.memory_space<hbm>>
    tpu.enqueue_indirect_dma source(%dma_start3A_47 : memref<10000x16xf32, #tpu.memory_space<hbm>>) target(%arg14 : memref<40x16xf32, #tpu.memory_space<vmem>>) offsets(%arg12 : memref<40xi32, #tpu.memory_space<vmem>>) semaphore(%arg26 : memref<!tpu.dma_semaphore, #tpu.memory_space<semaphore_mem>>)
    %scan3A = arith.constant 0 : i32
    %scan3A_48 = arith.constant 0 : i32
    %scan3A_49 = arith.constant 125 : i32
    %scan3A_50 = arith.addi %scan3A_48, %scan3A_49 : i32
    %scan3A_51 = arith.constant 1 : i32
    scf.for %scan3A_63 = %scan3A_48 to %scan3A_50 step %scan3A_51  : i32 {
      %dma_wait3A_64 = arith.constant 0 : i32
      %dma_wait3A_65 = arith.constant 0 : i32
      %dma_wait3A_66 = tpu.memref_slice %arg4[%dma_wait3A_64, %dma_wait3A_65] : memref<10000x144xf32, #tpu.memory_space<hbm>> -> memref<10000x144xf32, #tpu.memory_space<hbm>>
      tpu.wait_indirect_dma semaphore(%arg26 : memref<!tpu.dma_semaphore, #tpu.memory_space<semaphore_mem>>) src(%dma_wait3A_66 : memref<10000x144xf32, #tpu.memory_space<hbm>>) dst(%arg16 : memref<40x144xf32, #tpu.memory_space<vmem>>)
      %dma_wait3A_67 = arith.constant 0 : i32
      %dma_wait3A_68 = arith.constant 0 : i32
      %dma_wait3A_69 = tpu.memref_slice %arg5[%dma_wait3A_67, %dma_wait3A_68] : memref<10000x16xf32, #tpu.memory_space<hbm>> -> memref<10000x16xf32, #tpu.memory_space<hbm>>
      tpu.wait_indirect_dma semaphore(%arg26 : memref<!tpu.dma_semaphore, #tpu.memory_space<semaphore_mem>>) src(%dma_wait3A_69 : memref<10000x16xf32, #tpu.memory_space<hbm>>) dst(%arg14 : memref<40x16xf32, #tpu.memory_space<vmem>>)
      %dma_wait3A_70 = arith.constant 0 : i32
      %dma_wait3A_71 = tpu.memref_slice %arg2[%dma_wait3A_70] : memref<320000xi32, #tpu.memory_space<hbm>> -> memref<40xi32, #tpu.memory_space<hbm>>
      %dma_wait3A_72 = arith.constant 0 : i32
      %dma_wait3A_73 = tpu.memref_slice %arg2[%dma_wait3A_72] : memref<320000xi32, #tpu.memory_space<hbm>> -> memref<40xi32, #tpu.memory_space<hbm>>
      tpu.wait_dma2 semaphore(%arg25 : memref<!tpu.dma_semaphore, #tpu.memory_space<semaphore_mem>>) src(%dma_wait3A_73 : memref<40xi32, #tpu.memory_space<hbm>>) dst(%arg11 : memref<40xi32, #tpu.memory_space<vmem>>)
      %dma_wait3A_74 = arith.constant 0 : i32
      %dma_wait3A_75 = tpu.memref_slice %arg3[%dma_wait3A_74] : memref<320000xi32, #tpu.memory_space<hbm>> -> memref<40xi32, #tpu.memory_space<hbm>>
      %dma_wait3A_76 = arith.constant 0 : i32
      %dma_wait3A_77 = tpu.memref_slice %arg3[%dma_wait3A_76] : memref<320000xi32, #tpu.memory_space<hbm>> -> memref<40xi32, #tpu.memory_space<hbm>>
      tpu.wait_dma2 semaphore(%arg25 : memref<!tpu.dma_semaphore, #tpu.memory_space<semaphore_mem>>) src(%dma_wait3A_77 : memref<40xi32, #tpu.memory_space<hbm>>) dst(%arg13 : memref<40xi32, #tpu.memory_space<vmem>>)
      %dma_wait3A_78 = arith.constant 0 : i32
      %dma_wait3A_79 = arith.constant 0 : i32
      %dma_wait3A_80 = tpu.memref_slice %arg6[%dma_wait3A_78, %dma_wait3A_79] : memref<320000x144xf32, #tpu.memory_space<hbm>> -> memref<40x144xf32, #tpu.memory_space<hbm>>
      %dma_wait3A_81 = arith.constant 0 : i32
      %dma_wait3A_82 = arith.constant 0 : i32
      %dma_wait3A_83 = tpu.memref_slice %arg6[%dma_wait3A_81, %dma_wait3A_82] : memref<320000x144xf32, #tpu.memory_space<hbm>> -> memref<40x144xf32, #tpu.memory_space<hbm>>
      tpu.wait_dma2 semaphore(%arg25 : memref<!tpu.dma_semaphore, #tpu.memory_space<semaphore_mem>>) src(%dma_wait3A_83 : memref<40x144xf32, #tpu.memory_space<hbm>>) dst(%arg19 : memref<40x144xf32, #tpu.memory_space<vmem>>)
      %dma_start3A_84 = arith.constant 0 : i32
      %dma_start3A_85 = arith.constant 0 : i32
      %dma_start3A_86 = tpu.memref_slice %arg4[%dma_start3A_84, %dma_start3A_85] : memref<10000x144xf32, #tpu.memory_space<hbm>> -> memref<10000x144xf32, #tpu.memory_space<hbm>>
      tpu.enqueue_indirect_dma source(%dma_start3A_86 : memref<10000x144xf32, #tpu.memory_space<hbm>>) target(%arg17 : memref<40x144xf32, #tpu.memory_space<vmem>>) offsets(%arg11 : memref<40xi32, #tpu.memory_space<vmem>>) semaphore(%arg27 : memref<!tpu.dma_semaphore, #tpu.memory_space<semaphore_mem>>)
      %dma_start3A_87 = arith.constant 0 : i32
      %dma_start3A_88 = arith.constant 0 : i32
      %dma_start3A_89 = tpu.memref_slice %arg5[%dma_start3A_87, %dma_start3A_88] : memref<10000x16xf32, #tpu.memory_space<hbm>> -> memref<10000x16xf32, #tpu.memory_space<hbm>>
      tpu.enqueue_indirect_dma source(%dma_start3A_89 : memref<10000x16xf32, #tpu.memory_space<hbm>>) target(%arg15 : memref<40x16xf32, #tpu.memory_space<vmem>>) offsets(%arg13 : memref<40xi32, #tpu.memory_space<vmem>>) semaphore(%arg27 : memref<!tpu.dma_semaphore, #tpu.memory_space<semaphore_mem>>)
      %get3A = arith.constant 0 : index
      %get3A_90 = tpu.vector_load %arg22[%get3A] {strides = array<i32>} : memref<16xf32, #tpu.memory_space<vmem>>, vector<16xf32>,
      %get3A_91 = vector.shape_cast %get3A_90 : vector<16xf32> to vector<16xf32>
      %scan3A_92 = arith.constant 0 : i32
      %scan3A_93 = arith.constant 0 : i32
      %scan3A_94 = arith.constant 40 : i32
      %scan3A_95 = arith.addi %scan3A_93, %scan3A_94 : i32
      %scan3A_96 = arith.constant 1 : i32
      scf.for %scan3A_128 = %scan3A_93 to %scan3A_95 step %scan3A_96  : i32 {
        %get3A_129 = arith.index_cast %scan3A_128 : i32 to index
        %get3A_130 = arith.constant 128 : index
        %get3A_131 = tpu.vector_load %arg16[%get3A_129, %get3A_130] {strides = array<i32>} : memref<40x144xf32, #tpu.memory_space<vmem>>, vector<1x16xf32>,
        %get3A_132 = vector.shape_cast %get3A_131 : vector<1x16xf32> to vector<16xf32>
        %get3A_133 = arith.index_cast %scan3A_128 : i32 to index
        %get3A_134 = arith.constant 0 : index
        %get3A_135 = tpu.vector_load %arg14[%get3A_133, %get3A_134] {strides = array<i32>} : memref<40x16xf32, #tpu.memory_space<vmem>>, vector<1x16xf32>,
        %get3A_136 = vector.shape_cast %get3A_135 : vector<1x16xf32> to vector<16xf32>
        %add3A_137 = arith.addf %get3A_132, %get3A_136 : vector<16xf32>
        %get3A_138 = arith.index_cast %scan3A_128 : i32 to index
        %get3A_139 = arith.constant 128 : index
        %get3A_140 = tpu.vector_load %arg18[%get3A_138, %get3A_139] {strides = array<i32>} : memref<40x144xf32, #tpu.memory_space<vmem>>, vector<1x16xf32>,
        %get3A_141 = vector.shape_cast %get3A_140 : vector<1x16xf32> to vector<16xf32>
        %add3A_142 = arith.addf %add3A_137, %get3A_141 : vector<16xf32>
        %gt3A = arith.constant 0.000000e+00 : f32
        %gt3A_143 = vector.broadcast %gt3A : f32 to vector<16xf32>
        %gt3A_144 = arith.cmpf ogt, %add3A_142, %gt3A_143 : vector<16xf32>
        %mul3A_145 = arith.constant 2.000000e-01 : f32
        %mul3A_146 = vector.broadcast %mul3A_145 : f32 to vector<16xf32>
        %mul3A_147 = arith.mulf %mul3A_146, %add3A_142 : vector<16xf32>
        %select_n3A = arith.select %gt3A_144, %add3A_142, %mul3A_147 : vector<16xi1>, vector<16xf32>
        %sub3A = arith.subf %select_n3A, %get3A_91 : vector<16xf32>
        %exp3A = math.exp %sub3A : vector<16xf32>
        %swap3A = arith.index_cast %scan3A_128 : i32 to index
        %swap3A_148 = arith.constant 128 : index
        %swap3A_149 = tpu.vector_load %arg20[%swap3A, %swap3A_148] {strides = array<i32>} : memref<40x144xf32, #tpu.memory_space<vmem>>, vector<1x16xf32>,
        %swap3A_150 = vector.shape_cast %swap3A_149 : vector<1x16xf32> to vector<16xf32>
        %swap3A_151 = vector.shape_cast %exp3A : vector<16xf32> to vector<1x16xf32>
        tpu.vector_store %arg20[%swap3A, %swap3A_148], %swap3A_151 {strides = array<i32>} : memref<40x144xf32, #tpu.memory_space<vmem>>, vector<1x16xf32>,
        %slice3A = vector.extract_strided_slice %exp3A {offsets = [0], sizes = [1], strides = [1]} : vector<16xf32> to vector<1xf32>
        %squeeze3A = vector.extract %slice3A[0] : f32 from vector<1xf32>
        %broadcast_in_dim3A = vector.broadcast %squeeze3A : f32 to vector<16xf32>
        %get3A_152 = arith.index_cast %scan3A_128 : i32 to index
        %get3A_153 = arith.constant 0 : index
        %get3A_154 = tpu.vector_load %arg16[%get3A_152, %get3A_153] {strides = array<i32>} : memref<40x144xf32, #tpu.memory_space<vmem>>, vector<1x16xf32>,
        %get3A_155 = vector.shape_cast %get3A_154 : vector<1x16xf32> to vector<16xf32>
        %get3A_156 = arith.index_cast %scan3A_128 : i32 to index
        %get3A_157 = arith.constant 0 : index
        %get3A_158 = tpu.vector_load %arg18[%get3A_156, %get3A_157] {strides = array<i32>} : memref<40x144xf32, #tpu.memory_space<vmem>>, vector<1x16xf32>,
        %get3A_159 = vector.shape_cast %get3A_158 : vector<1x16xf32> to vector<16xf32>
        %add3A_160 = arith.addf %get3A_155, %get3A_159 : vector<16xf32>
        %mul3A_161 = arith.mulf %add3A_160, %broadcast_in_dim3A : vector<16xf32>
        %swap3A_162 = arith.index_cast %scan3A_128 : i32 to index
        %swap3A_163 = arith.constant 0 : index
        %swap3A_164 = tpu.vector_load %arg20[%swap3A_162, %swap3A_163] {strides = array<i32>} : memref<40x144xf32, #tpu.memory_space<vmem>>, vector<1x16xf32>,
        %swap3A_165 = vector.shape_cast %swap3A_164 : vector<1x16xf32> to vector<16xf32>
        %swap3A_166 = vector.shape_cast %mul3A_161 : vector<16xf32> to vector<1x16xf32>
        tpu.vector_store %arg20[%swap3A_162, %swap3A_163], %swap3A_166 {strides = array<i32>} : memref<40x144xf32, #tpu.memory_space<vmem>>, vector<1x16xf32>,
        %slice3A_167 = vector.extract_strided_slice %exp3A {offsets = [1], sizes = [1], strides = [1]} : vector<16xf32> to vector<1xf32>
        %squeeze3A_168 = vector.extract %slice3A_167[0] : f32 from vector<1xf32>
        %broadcast_in_dim3A_169 = vector.broadcast %squeeze3A_168 : f32 to vector<16xf32>
        %get3A_170 = arith.index_cast %scan3A_128 : i32 to index
        %get3A_171 = arith.constant 16 : index
        %get3A_172 = tpu.vector_load %arg16[%get3A_170, %get3A_171] {strides = array<i32>} : memref<40x144xf32, #tpu.memory_space<vmem>>, vector<1x16xf32>,
        %get3A_173 = vector.shape_cast %get3A_172 : vector<1x16xf32> to vector<16xf32>
        %get3A_174 = arith.index_cast %scan3A_128 : i32 to index
        %get3A_175 = arith.constant 16 : index
        %get3A_176 = tpu.vector_load %arg18[%get3A_174, %get3A_175] {strides = array<i32>} : memref<40x144xf32, #tpu.memory_space<vmem>>, vector<1x16xf32>,
        %get3A_177 = vector.shape_cast %get3A_176 : vector<1x16xf32> to vector<16xf32>
        %add3A_178 = arith.addf %get3A_173, %get3A_177 : vector<16xf32>
        %mul3A_179 = arith.mulf %add3A_178, %broadcast_in_dim3A_169 : vector<16xf32>
        %swap3A_180 = arith.index_cast %scan3A_128 : i32 to index
        %swap3A_181 = arith.constant 16 : index
        %swap3A_182 = tpu.vector_load %arg20[%swap3A_180, %swap3A_181] {strides = array<i32>} : memref<40x144xf32, #tpu.memory_space<vmem>>, vector<1x16xf32>,
        %swap3A_183 = vector.shape_cast %swap3A_182 : vector<1x16xf32> to vector<16xf32>
        %swap3A_184 = vector.shape_cast %mul3A_179 : vector<16xf32> to vector<1x16xf32>
        tpu.vector_store %arg20[%swap3A_180, %swap3A_181], %swap3A_184 {strides = array<i32>} : memref<40x144xf32, #tpu.memory_space<vmem>>, vector<1x16xf32>,
        %slice3A_185 = vector.extract_strided_slice %exp3A {offsets = [2], sizes = [1], strides = [1]} : vector<16xf32> to vector<1xf32>
        %squeeze3A_186 = vector.extract %slice3A_185[0] : f32 from vector<1xf32>
        %broadcast_in_dim3A_187 = vector.broadcast %squeeze3A_186 : f32 to vector<16xf32>
        %get3A_188 = arith.index_cast %scan3A_128 : i32 to index
        %get3A_189 = arith.constant 32 : index
        %get3A_190 = tpu.vector_load %arg16[%get3A_188, %get3A_189] {strides = array<i32>} : memref<40x144xf32, #tpu.memory_space<vmem>>, vector<1x16xf32>,
        %get3A_191 = vector.shape_cast %get3A_190 : vector<1x16xf32> to vector<16xf32>
        %get3A_192 = arith.index_cast %scan3A_128 : i32 to index
        %get3A_193 = arith.constant 32 : index
        %get3A_194 = tpu.vector_load %arg18[%get3A_192, %get3A_193] {strides = array<i32>} : memref<40x144xf32, #tpu.memory_space<vmem>>, vector<1x16xf32>,
        %get3A_195 = vector.shape_cast %get3A_194 : vector<1x16xf32> to vector<16xf32>
        %add3A_196 = arith.addf %get3A_191, %get3A_195 : vector<16xf32>
        %mul3A_197 = arith.mulf %add3A_196, %broadcast_in_dim3A_187 : vector<16xf32>
        %swap3A_198 = arith.index_cast %scan3A_128 : i32 to index
        %swap3A_199 = arith.constant 32 : index
        %swap3A_200 = tpu.vector_load %arg20[%swap3A_198, %swap3A_199] {strides = array<i32>} : memref<40x144xf32, #tpu.memory_space<vmem>>, vector<1x16xf32>,
        %swap3A_201 = vector.shape_cast %swap3A_200 : vector<1x16xf32> to vector<16xf32>
        %swap3A_202 = vector.shape_cast %mul3A_197 : vector<16xf32> to vector<1x16xf32>
        tpu.vector_store %arg20[%swap3A_198, %swap3A_199], %swap3A_202 {strides = array<i32>} : memref<40x144xf32, #tpu.memory_space<vmem>>, vector<1x16xf32>,
        %slice3A_203 = vector.extract_strided_slice %exp3A {offsets = [3], sizes = [1], strides = [1]} : vector<16xf32> to vector<1xf32>
        %squeeze3A_204 = vector.extract %slice3A_203[0] : f32 from vector<1xf32>
        %broadcast_in_dim3A_205 = vector.broadcast %squeeze3A_204 : f32 to vector<16xf32>
        %get3A_206 = arith.index_cast %scan3A_128 : i32 to index
        %get3A_207 = arith.constant 48 : index
        %get3A_208 = tpu.vector_load %arg16[%get3A_206, %get3A_207] {strides = array<i32>} : memref<40x144xf32, #tpu.memory_space<vmem>>, vector<1x16xf32>,
        %get3A_209 = vector.shape_cast %get3A_208 : vector<1x16xf32> to vector<16xf32>
        %get3A_210 = arith.index_cast %scan3A_128 : i32 to index
        %get3A_211 = arith.constant 48 : index
        %get3A_212 = tpu.vector_load %arg18[%get3A_210, %get3A_211] {strides = array<i32>} : memref<40x144xf32, #tpu.memory_space<vmem>>, vector<1x16xf32>,
        %get3A_213 = vector.shape_cast %get3A_212 : vector<1x16xf32> to vector<16xf32>
        %add3A_214 = arith.addf %get3A_209, %get3A_213 : vector<16xf32>
        %mul3A_215 = arith.mulf %add3A_214, %broadcast_in_dim3A_205 : vector<16xf32>
        %swap3A_216 = arith.index_cast %scan3A_128 : i32 to index
        %swap3A_217 = arith.constant 48 : index
        %swap3A_218 = tpu.vector_load %arg20[%swap3A_216, %swap3A_217] {strides = array<i32>} : memref<40x144xf32, #tpu.memory_space<vmem>>, vector<1x16xf32>,
        %swap3A_219 = vector.shape_cast %swap3A_218 : vector<1x16xf32> to vector<16xf32>
        %swap3A_220 = vector.shape_cast %mul3A_215 : vector<16xf32> to vector<1x16xf32>
        tpu.vector_store %arg20[%swap3A_216, %swap3A_217], %swap3A_220 {strides = array<i32>} : memref<40x144xf32, #tpu.memory_space<vmem>>, vector<1x16xf32>,
        %slice3A_221 = vector.extract_strided_slice %exp3A {offsets = [4], sizes = [1], strides = [1]} : vector<16xf32> to vector<1xf32>
        %squeeze3A_222 = vector.extract %slice3A_221[0] : f32 from vector<1xf32>
        %broadcast_in_dim3A_223 = vector.broadcast %squeeze3A_222 : f32 to vector<16xf32>
        %get3A_224 = arith.index_cast %scan3A_128 : i32 to index
        %get3A_225 = arith.constant 64 : index
        %get3A_226 = tpu.vector_load %arg16[%get3A_224, %get3A_225] {strides = array<i32>} : memref<40x144xf32, #tpu.memory_space<vmem>>, vector<1x16xf32>,
        %get3A_227 = vector.shape_cast %get3A_226 : vector<1x16xf32> to vector<16xf32>
        %get3A_228 = arith.index_cast %scan3A_128 : i32 to index
        %get3A_229 = arith.constant 64 : index
        %get3A_230 = tpu.vector_load %arg18[%get3A_228, %get3A_229] {strides = array<i32>} : memref<40x144xf32, #tpu.memory_space<vmem>>, vector<1x16xf32>,
        %get3A_231 = vector.shape_cast %get3A_230 : vector<1x16xf32> to vector<16xf32>
        %add3A_232 = arith.addf %get3A_227, %get3A_231 : vector<16xf32>
        %mul3A_233 = arith.mulf %add3A_232, %broadcast_in_dim3A_223 : vector<16xf32>
        %swap3A_234 = arith.index_cast %scan3A_128 : i32 to index
        %swap3A_235 = arith.constant 64 : index
        %swap3A_236 = tpu.vector_load %arg20[%swap3A_234, %swap3A_235] {strides = array<i32>} : memref<40x144xf32, #tpu.memory_space<vmem>>, vector<1x16xf32>,
        %swap3A_237 = vector.shape_cast %swap3A_236 : vector<1x16xf32> to vector<16xf32>
        %swap3A_238 = vector.shape_cast %mul3A_233 : vector<16xf32> to vector<1x16xf32>
        tpu.vector_store %arg20[%swap3A_234, %swap3A_235], %swap3A_238 {strides = array<i32>} : memref<40x144xf32, #tpu.memory_space<vmem>>, vector<1x16xf32>,
        %slice3A_239 = vector.extract_strided_slice %exp3A {offsets = [5], sizes = [1], strides = [1]} : vector<16xf32> to vector<1xf32>
        %squeeze3A_240 = vector.extract %slice3A_239[0] : f32 from vector<1xf32>
        %broadcast_in_dim3A_241 = vector.broadcast %squeeze3A_240 : f32 to vector<16xf32>
        %get3A_242 = arith.index_cast %scan3A_128 : i32 to index
        %get3A_243 = arith.constant 80 : index
        %get3A_244 = tpu.vector_load %arg16[%get3A_242, %get3A_243] {strides = array<i32>} : memref<40x144xf32, #tpu.memory_space<vmem>>, vector<1x16xf32>,
        %get3A_245 = vector.shape_cast %get3A_244 : vector<1x16xf32> to vector<16xf32>
        %get3A_246 = arith.index_cast %scan3A_128 : i32 to index
        %get3A_247 = arith.constant 80 : index
        %get3A_248 = tpu.vector_load %arg18[%get3A_246, %get3A_247] {strides = array<i32>} : memref<40x144xf32, #tpu.memory_space<vmem>>, vector<1x16xf32>,
        %get3A_249 = vector.shape_cast %get3A_248 : vector<1x16xf32> to vector<16xf32>
        %add3A_250 = arith.addf %get3A_245, %get3A_249 : vector<16xf32>
        %mul3A_251 = arith.mulf %add3A_250, %broadcast_in_dim3A_241 : vector<16xf32>
        %swap3A_252 = arith.index_cast %scan3A_128 : i32 to index
        %swap3A_253 = arith.constant 80 : index
        %swap3A_254 = tpu.vector_load %arg20[%swap3A_252, %swap3A_253] {strides = array<i32>} : memref<40x144xf32, #tpu.memory_space<vmem>>, vector<1x16xf32>,
        %swap3A_255 = vector.shape_cast %swap3A_254 : vector<1x16xf32> to vector<16xf32>
        %swap3A_256 = vector.shape_cast %mul3A_251 : vector<16xf32> to vector<1x16xf32>
        tpu.vector_store %arg20[%swap3A_252, %swap3A_253], %swap3A_256 {strides = array<i32>} : memref<40x144xf32, #tpu.memory_space<vmem>>, vector<1x16xf32>,
        %slice3A_257 = vector.extract_strided_slice %exp3A {offsets = [6], sizes = [1], strides = [1]} : vector<16xf32> to vector<1xf32>
        %squeeze3A_258 = vector.extract %slice3A_257[0] : f32 from vector<1xf32>
        %broadcast_in_dim3A_259 = vector.broadcast %squeeze3A_258 : f32 to vector<16xf32>
        %get3A_260 = arith.index_cast %scan3A_128 : i32 to index
        %get3A_261 = arith.constant 96 : index
        %get3A_262 = tpu.vector_load %arg16[%get3A_260, %get3A_261] {strides = array<i32>} : memref<40x144xf32, #tpu.memory_space<vmem>>, vector<1x16xf32>,
        %get3A_263 = vector.shape_cast %get3A_262 : vector<1x16xf32> to vector<16xf32>
        %get3A_264 = arith.index_cast %scan3A_128 : i32 to index
        %get3A_265 = arith.constant 96 : index
        %get3A_266 = tpu.vector_load %arg18[%get3A_264, %get3A_265] {strides = array<i32>} : memref<40x144xf32, #tpu.memory_space<vmem>>, vector<1x16xf32>,
        %get3A_267 = vector.shape_cast %get3A_266 : vector<1x16xf32> to vector<16xf32>
        %add3A_268 = arith.addf %get3A_263, %get3A_267 : vector<16xf32>
        %mul3A_269 = arith.mulf %add3A_268, %broadcast_in_dim3A_259 : vector<16xf32>
        %swap3A_270 = arith.index_cast %scan3A_128 : i32 to index
        %swap3A_271 = arith.constant 96 : index
        %swap3A_272 = tpu.vector_load %arg20[%swap3A_270, %swap3A_271] {strides = array<i32>} : memref<40x144xf32, #tpu.memory_space<vmem>>, vector<1x16xf32>,
        %swap3A_273 = vector.shape_cast %swap3A_272 : vector<1x16xf32> to vector<16xf32>
        %swap3A_274 = vector.shape_cast %mul3A_269 : vector<16xf32> to vector<1x16xf32>
        tpu.vector_store %arg20[%swap3A_270, %swap3A_271], %swap3A_274 {strides = array<i32>} : memref<40x144xf32, #tpu.memory_space<vmem>>, vector<1x16xf32>,
        %slice3A_275 = vector.extract_strided_slice %exp3A {offsets = [7], sizes = [1], strides = [1]} : vector<16xf32> to vector<1xf32>
        %squeeze3A_276 = vector.extract %slice3A_275[0] : f32 from vector<1xf32>
        %broadcast_in_dim3A_277 = vector.broadcast %squeeze3A_276 : f32 to vector<16xf32>
        %get3A_278 = arith.index_cast %scan3A_128 : i32 to index
        %get3A_279 = arith.constant 112 : index
        %get3A_280 = tpu.vector_load %arg16[%get3A_278, %get3A_279] {strides = array<i32>} : memref<40x144xf32, #tpu.memory_space<vmem>>, vector<1x16xf32>,
        %get3A_281 = vector.shape_cast %get3A_280 : vector<1x16xf32> to vector<16xf32>
        %get3A_282 = arith.index_cast %scan3A_128 : i32 to index
        %get3A_283 = arith.constant 112 : index
        %get3A_284 = tpu.vector_load %arg18[%get3A_282, %get3A_283] {strides = array<i32>} : memref<40x144xf32, #tpu.memory_space<vmem>>, vector<1x16xf32>,
        %get3A_285 = vector.shape_cast %get3A_284 : vector<1x16xf32> to vector<16xf32>
        %add3A_286 = arith.addf %get3A_281, %get3A_285 : vector<16xf32>
        %mul3A_287 = arith.mulf %add3A_286, %broadcast_in_dim3A_277 : vector<16xf32>
        %swap3A_288 = arith.index_cast %scan3A_128 : i32 to index
        %swap3A_289 = arith.constant 112 : index
        %swap3A_290 = tpu.vector_load %arg20[%swap3A_288, %swap3A_289] {strides = array<i32>} : memref<40x144xf32, #tpu.memory_space<vmem>>, vector<1x16xf32>,
        %swap3A_291 = vector.shape_cast %swap3A_290 : vector<1x16xf32> to vector<16xf32>
        %swap3A_292 = vector.shape_cast %mul3A_287 : vector<16xf32> to vector<1x16xf32>
        tpu.vector_store %arg20[%swap3A_288, %swap3A_289], %swap3A_292 {strides = array<i32>} : memref<40x144xf32, #tpu.memory_space<vmem>>, vector<1x16xf32>,
      }
      %scan3A_97 = arith.constant 40 : i32
      "tpu.region"() ({
        %run_scoped3A = tpu.sem_alloc : memref<!tpu.dma_semaphore, #tpu.memory_space<semaphore_mem>>
        %dma_start3A_128 = arith.constant 0 : i32
        %dma_start3A_129 = arith.constant 0 : i32
        %dma_start3A_130 = tpu.memref_slice %arg23[%dma_start3A_128, %dma_start3A_129] : memref<10000x144xf32, #tpu.memory_space<vmem_shared>> -> memref<10000x144xf32, #tpu.memory_space<vmem_shared>>
        tpu.enqueue_indirect_dma source(%arg20 : memref<40x144xf32, #tpu.memory_space<vmem>>) target(%dma_start3A_130 : memref<10000x144xf32, #tpu.memory_space<vmem_shared>>) offsets(%arg12 : memref<40xi32, #tpu.memory_space<vmem>>) semaphore(%run_scoped3A : memref<!tpu.dma_semaphore, #tpu.memory_space<semaphore_mem>>) {add = true}
        %dma_wait3A_131 = arith.constant 0 : i32
        %dma_wait3A_132 = arith.constant 0 : i32
        %dma_wait3A_133 = tpu.memref_slice %arg23[%dma_wait3A_131, %dma_wait3A_132] : memref<10000x144xf32, #tpu.memory_space<vmem_shared>> -> memref<10000x144xf32, #tpu.memory_space<vmem_shared>>
        tpu.wait_indirect_dma semaphore(%run_scoped3A : memref<!tpu.dma_semaphore, #tpu.memory_space<semaphore_mem>>) src(%arg20 : memref<40x144xf32, #tpu.memory_space<vmem>>) dst(%dma_wait3A_133 : memref<10000x144xf32, #tpu.memory_space<vmem_shared>>)
        tpu.yield
      }) : () -> ()
      %lt3A_98 = arith.constant 124 : i32
      %lt3A_99 = arith.cmpi slt, %scan3A_63, %lt3A_98 : i32
      %convert_element_type3A_100 = arith.extui %lt3A_99 : i1 to i32
      %cond3A_101 = arith.constant 0 : i32
      %cond3A_102 = arith.cmpi ne, %convert_element_type3A_100, %cond3A_101 : i32
      scf.if %cond3A_102 {
        %mul3A_128 = arith.constant 2 : i32
        %mul3A_129 = arith.muli %mul3A_128, %scan3A_63 : i32
        %add3A_130 = arith.constant 2 : i32
        %add3A_131 = arith.addi %mul3A_129, %add3A_130 : i32
        %mul3A_132 = arith.constant 16 : i32
        %mul3A_133 = arith.muli %add3A_131, %mul3A_132 : i32
        %add3A_134 = arith.addi %mul3A_133, %arg1 : i32
        %mul3A_135 = arith.constant 40 : i32
        %mul3A_136 = arith.muli %add3A_134, %mul3A_135 : i32
        %add3A_137 = arith.addi %mul3A_0, %mul3A_136 : i32
        %dma_start3A_138 = tpu.memref_slice %arg2[%add3A_137] : memref<320000xi32, #tpu.memory_space<hbm>> -> memref<40xi32, #tpu.memory_space<hbm>>
        %dma_start3A_139 = tpu.memref_slice %arg2[%add3A_137] : memref<320000xi32, #tpu.memory_space<hbm>> -> memref<40xi32, #tpu.memory_space<hbm>>
        tpu.enqueue_dma source(%dma_start3A_139 : memref<40xi32, #tpu.memory_space<hbm>>) target(%arg10 : memref<40xi32, #tpu.memory_space<vmem>>) target_semaphore(%arg24 : memref<!tpu.dma_semaphore, #tpu.memory_space<semaphore_mem>>)
        %dma_start3A_140 = tpu.memref_slice %arg3[%add3A_137] : memref<320000xi32, #tpu.memory_space<hbm>> -> memref<40xi32, #tpu.memory_space<hbm>>
        %dma_start3A_141 = tpu.memref_slice %arg3[%add3A_137] : memref<320000xi32, #tpu.memory_space<hbm>> -> memref<40xi32, #tpu.memory_space<hbm>>
        tpu.enqueue_dma source(%dma_start3A_141 : memref<40xi32, #tpu.memory_space<hbm>>) target(%arg12 : memref<40xi32, #tpu.memory_space<vmem>>) target_semaphore(%arg24 : memref<!tpu.dma_semaphore, #tpu.memory_space<semaphore_mem>>)
        %dma_start3A_142 = arith.constant 0 : i32
        %dma_start3A_143 = tpu.memref_slice %arg6[%add3A_137, %dma_start3A_142] : memref<320000x144xf32, #tpu.memory_space<hbm>> -> memref<40x144xf32, #tpu.memory_space<hbm>>
        %dma_start3A_144 = arith.constant 0 : i32
        %dma_start3A_145 = tpu.memref_slice %arg6[%add3A_137, %dma_start3A_144] : memref<320000x144xf32, #tpu.memory_space<hbm>> -> memref<40x144xf32, #tpu.memory_space<hbm>>
        tpu.enqueue_dma source(%dma_start3A_145 : memref<40x144xf32, #tpu.memory_space<hbm>>) target(%arg18 : memref<40x144xf32, #tpu.memory_space<vmem>>) target_semaphore(%arg24 : memref<!tpu.dma_semaphore, #tpu.memory_space<semaphore_mem>>)
      } else {
      }
      %dma_wait3A_103 = arith.constant 0 : i32
      %dma_wait3A_104 = arith.constant 0 : i32
      %dma_wait3A_105 = tpu.memref_slice %arg4[%dma_wait3A_103, %dma_wait3A_104] : memref<10000x144xf32, #tpu.memory_space<hbm>> -> memref<10000x144xf32, #tpu.memory_space<hbm>>
      tpu.wait_indirect_dma semaphore(%arg27 : memref<!tpu.dma_semaphore, #tpu.memory_space<semaphore_mem>>) src(%dma_wait3A_105 : memref<10000x144xf32, #tpu.memory_space<hbm>>) dst(%arg17 : memref<40x144xf32, #tpu.memory_space<vmem>>)
      %dma_wait3A_106 = arith.constant 0 : i32
      %dma_wait3A_107 = arith.constant 0 : i32
      %dma_wait3A_108 = tpu.memref_slice %arg5[%dma_wait3A_106, %dma_wait3A_107] : memref<10000x16xf32, #tpu.memory_space<hbm>> -> memref<10000x16xf32, #tpu.memory_space<hbm>>
      tpu.wait_indirect_dma semaphore(%arg27 : memref<!tpu.dma_semaphore, #tpu.memory_space<semaphore_mem>>) src(%dma_wait3A_108 : memref<10000x16xf32, #tpu.memory_space<hbm>>) dst(%arg15 : memref<40x16xf32, #tpu.memory_space<vmem>>)
      %lt3A_109 = arith.constant 124 : i32
      %lt3A_110 = arith.cmpi slt, %scan3A_63, %lt3A_109 : i32
      %convert_element_type3A_111 = arith.extui %lt3A_110 : i1 to i32
      %cond3A_112 = arith.constant 0 : i32
      %cond3A_113 = arith.cmpi ne, %convert_element_type3A_111, %cond3A_112 : i32
      scf.if %cond3A_113 {
        %dma_wait3A_128 = arith.constant 0 : i32
        %dma_wait3A_129 = tpu.memref_slice %arg2[%dma_wait3A_128] : memref<320000xi32, #tpu.memory_space<hbm>> -> memref<40xi32, #tpu.memory_space<hbm>>
        %dma_wait3A_130 = arith.constant 0 : i32
        %dma_wait3A_131 = tpu.memref_slice %arg2[%dma_wait3A_130] : memref<320000xi32, #tpu.memory_space<hbm>> -> memref<40xi32, #tpu.memory_space<hbm>>
        tpu.wait_dma2 semaphore(%arg24 : memref<!tpu.dma_semaphore, #tpu.memory_space<semaphore_mem>>) src(%dma_wait3A_131 : memref<40xi32, #tpu.memory_space<hbm>>) dst(%arg10 : memref<40xi32, #tpu.memory_space<vmem>>)
        %dma_wait3A_132 = arith.constant 0 : i32
        %dma_wait3A_133 = tpu.memref_slice %arg3[%dma_wait3A_132] : memref<320000xi32, #tpu.memory_space<hbm>> -> memref<40xi32, #tpu.memory_space<hbm>>
        %dma_wait3A_134 = arith.constant 0 : i32
        %dma_wait3A_135 = tpu.memref_slice %arg3[%dma_wait3A_134] : memref<320000xi32, #tpu.memory_space<hbm>> -> memref<40xi32, #tpu.memory_space<hbm>>
        tpu.wait_dma2 semaphore(%arg24 : memref<!tpu.dma_semaphore, #tpu.memory_space<semaphore_mem>>) src(%dma_wait3A_135 : memref<40xi32, #tpu.memory_space<hbm>>) dst(%arg12 : memref<40xi32, #tpu.memory_space<vmem>>)
        %dma_wait3A_136 = arith.constant 0 : i32
        %dma_wait3A_137 = arith.constant 0 : i32
        %dma_wait3A_138 = tpu.memref_slice %arg6[%dma_wait3A_136, %dma_wait3A_137] : memref<320000x144xf32, #tpu.memory_space<hbm>> -> memref<40x144xf32, #tpu.memory_space<hbm>>
        %dma_wait3A_139 = arith.constant 0 : i32
        %dma_wait3A_140 = arith.constant 0 : i32
        %dma_wait3A_141 = tpu.memref_slice %arg6[%dma_wait3A_139, %dma_wait3A_140] : memref<320000x144xf32, #tpu.memory_space<hbm>> -> memref<40x144xf32, #tpu.memory_space<hbm>>
        tpu.wait_dma2 semaphore(%arg24 : memref<!tpu.dma_semaphore, #tpu.memory_space<semaphore_mem>>) src(%dma_wait3A_141 : memref<40x144xf32, #tpu.memory_space<hbm>>) dst(%arg18 : memref<40x144xf32, #tpu.memory_space<vmem>>)
        %dma_start3A_142 = arith.constant 0 : i32
        %dma_start3A_143 = arith.constant 0 : i32
        %dma_start3A_144 = tpu.memref_slice %arg4[%dma_start3A_142, %dma_start3A_143] : memref<10000x144xf32, #tpu.memory_space<hbm>> -> memref<10000x144xf32, #tpu.memory_space<hbm>>
        tpu.enqueue_indirect_dma source(%dma_start3A_144 : memref<10000x144xf32, #tpu.memory_space<hbm>>) target(%arg16 : memref<40x144xf32, #tpu.memory_space<vmem>>) offsets(%arg10 : memref<40xi32, #tpu.memory_space<vmem>>) semaphore(%arg26 : memref<!tpu.dma_semaphore, #tpu.memory_space<semaphore_mem>>)
        %dma_start3A_145 = arith.constant 0 : i32
        %dma_start3A_146 = arith.constant 0 : i32
        %dma_start3A_147 = tpu.memref_slice %arg5[%dma_start3A_145, %dma_start3A_146] : memref<10000x16xf32, #tpu.memory_space<hbm>> -> memref<10000x16xf32, #tpu.memory_space<hbm>>
        tpu.enqueue_indirect_dma source(%dma_start3A_147 : memref<10000x16xf32, #tpu.memory_space<hbm>>) target(%arg14 : memref<40x16xf32, #tpu.memory_space<vmem>>) offsets(%arg12 : memref<40xi32, #tpu.memory_space<vmem>>) semaphore(%arg26 : memref<!tpu.dma_semaphore, #tpu.memory_space<semaphore_mem>>)
      } else {
      }
      %get3A_114 = arith.constant 0 : index
      %get3A_115 = tpu.vector_load %arg22[%get3A_114] {strides = array<i32>} : memref<16xf32, #tpu.memory_space<vmem>>, vector<16xf32>,
      %get3A_116 = vector.shape_cast %get3A_115 : vector<16xf32> to vector<16xf32>
      %scan3A_117 = arith.constant 0 : i32
      %scan3A_118 = arith.constant 0 : i32
      %scan3A_119 = arith.constant 40 : i32
      %scan3A_120 = arith.addi %scan3A_118, %scan3A_119 : i32
      %scan3A_121 = arith.constant 1 : i32
      scf.for %scan3A_128 = %scan3A_118 to %scan3A_120 step %scan3A_121  : i32 {
        %get3A_129 = arith.index_cast %scan3A_128 : i32 to index
        %get3A_130 = arith.constant 128 : index
        %get3A_131 = tpu.vector_load %arg17[%get3A_129, %get3A_130] {strides = array<i32>} : memref<40x144xf32, #tpu.memory_space<vmem>>, vector<1x16xf32>,
        %get3A_132 = vector.shape_cast %get3A_131 : vector<1x16xf32> to vector<16xf32>
        %get3A_133 = arith.index_cast %scan3A_128 : i32 to index
        %get3A_134 = arith.constant 0 : index
        %get3A_135 = tpu.vector_load %arg15[%get3A_133, %get3A_134] {strides = array<i32>} : memref<40x16xf32, #tpu.memory_space<vmem>>, vector<1x16xf32>,
        %get3A_136 = vector.shape_cast %get3A_135 : vector<1x16xf32> to vector<16xf32>
        %add3A_137 = arith.addf %get3A_132, %get3A_136 : vector<16xf32>
        %get3A_138 = arith.index_cast %scan3A_128 : i32 to index
        %get3A_139 = arith.constant 128 : index
        %get3A_140 = tpu.vector_load %arg19[%get3A_138, %get3A_139] {strides = array<i32>} : memref<40x144xf32, #tpu.memory_space<vmem>>, vector<1x16xf32>,
        %get3A_141 = vector.shape_cast %get3A_140 : vector<1x16xf32> to vector<16xf32>
        %add3A_142 = arith.addf %add3A_137, %get3A_141 : vector<16xf32>
        %gt3A = arith.constant 0.000000e+00 : f32
        %gt3A_143 = vector.broadcast %gt3A : f32 to vector<16xf32>
        %gt3A_144 = arith.cmpf ogt, %add3A_142, %gt3A_143 : vector<16xf32>
        %mul3A_145 = arith.constant 2.000000e-01 : f32
        %mul3A_146 = vector.broadcast %mul3A_145 : f32 to vector<16xf32>
        %mul3A_147 = arith.mulf %mul3A_146, %add3A_142 : vector<16xf32>
        %select_n3A = arith.select %gt3A_144, %add3A_142, %mul3A_147 : vector<16xi1>, vector<16xf32>
        %sub3A = arith.subf %select_n3A, %get3A_116 : vector<16xf32>
        %exp3A = math.exp %sub3A : vector<16xf32>
        %swap3A = arith.index_cast %scan3A_128 : i32 to index
        %swap3A_148 = arith.constant 128 : index
        %swap3A_149 = tpu.vector_load %arg21[%swap3A, %swap3A_148] {strides = array<i32>} : memref<40x144xf32, #tpu.memory_space<vmem>>, vector<1x16xf32>,
        %swap3A_150 = vector.shape_cast %swap3A_149 : vector<1x16xf32> to vector<16xf32>
        %swap3A_151 = vector.shape_cast %exp3A : vector<16xf32> to vector<1x16xf32>
        tpu.vector_store %arg21[%swap3A, %swap3A_148], %swap3A_151 {strides = array<i32>} : memref<40x144xf32, #tpu.memory_space<vmem>>, vector<1x16xf32>,
        %slice3A = vector.extract_strided_slice %exp3A {offsets = [0], sizes = [1], strides = [1]} : vector<16xf32> to vector<1xf32>
        %squeeze3A = vector.extract %slice3A[0] : f32 from vector<1xf32>
        %broadcast_in_dim3A = vector.broadcast %squeeze3A : f32 to vector<16xf32>
        %get3A_152 = arith.index_cast %scan3A_128 : i32 to index
        %get3A_153 = arith.constant 0 : index
        %get3A_154 = tpu.vector_load %arg17[%get3A_152, %get3A_153] {strides = array<i32>} : memref<40x144xf32, #tpu.memory_space<vmem>>, vector<1x16xf32>,
        %get3A_155 = vector.shape_cast %get3A_154 : vector<1x16xf32> to vector<16xf32>
        %get3A_156 = arith.index_cast %scan3A_128 : i32 to index
        %get3A_157 = arith.constant 0 : index
        %get3A_158 = tpu.vector_load %arg19[%get3A_156, %get3A_157] {strides = array<i32>} : memref<40x144xf32, #tpu.memory_space<vmem>>, vector<1x16xf32>,
        %get3A_159 = vector.shape_cast %get3A_158 : vector<1x16xf32> to vector<16xf32>
        %add3A_160 = arith.addf %get3A_155, %get3A_159 : vector<16xf32>
        %mul3A_161 = arith.mulf %add3A_160, %broadcast_in_dim3A : vector<16xf32>
        %swap3A_162 = arith.index_cast %scan3A_128 : i32 to index
        %swap3A_163 = arith.constant 0 : index
        %swap3A_164 = tpu.vector_load %arg21[%swap3A_162, %swap3A_163] {strides = array<i32>} : memref<40x144xf32, #tpu.memory_space<vmem>>, vector<1x16xf32>,
        %swap3A_165 = vector.shape_cast %swap3A_164 : vector<1x16xf32> to vector<16xf32>
        %swap3A_166 = vector.shape_cast %mul3A_161 : vector<16xf32> to vector<1x16xf32>
        tpu.vector_store %arg21[%swap3A_162, %swap3A_163], %swap3A_166 {strides = array<i32>} : memref<40x144xf32, #tpu.memory_space<vmem>>, vector<1x16xf32>,
        %slice3A_167 = vector.extract_strided_slice %exp3A {offsets = [1], sizes = [1], strides = [1]} : vector<16xf32> to vector<1xf32>
        %squeeze3A_168 = vector.extract %slice3A_167[0] : f32 from vector<1xf32>
        %broadcast_in_dim3A_169 = vector.broadcast %squeeze3A_168 : f32 to vector<16xf32>
        %get3A_170 = arith.index_cast %scan3A_128 : i32 to index
        %get3A_171 = arith.constant 16 : index
        %get3A_172 = tpu.vector_load %arg17[%get3A_170, %get3A_171] {strides = array<i32>} : memref<40x144xf32, #tpu.memory_space<vmem>>, vector<1x16xf32>,
        %get3A_173 = vector.shape_cast %get3A_172 : vector<1x16xf32> to vector<16xf32>
        %get3A_174 = arith.index_cast %scan3A_128 : i32 to index
        %get3A_175 = arith.constant 16 : index
        %get3A_176 = tpu.vector_load %arg19[%get3A_174, %get3A_175] {strides = array<i32>} : memref<40x144xf32, #tpu.memory_space<vmem>>, vector<1x16xf32>,
        %get3A_177 = vector.shape_cast %get3A_176 : vector<1x16xf32> to vector<16xf32>
        %add3A_178 = arith.addf %get3A_173, %get3A_177 : vector<16xf32>
        %mul3A_179 = arith.mulf %add3A_178, %broadcast_in_dim3A_169 : vector<16xf32>
        %swap3A_180 = arith.index_cast %scan3A_128 : i32 to index
        %swap3A_181 = arith.constant 16 : index
        %swap3A_182 = tpu.vector_load %arg21[%swap3A_180, %swap3A_181] {strides = array<i32>} : memref<40x144xf32, #tpu.memory_space<vmem>>, vector<1x16xf32>,
        %swap3A_183 = vector.shape_cast %swap3A_182 : vector<1x16xf32> to vector<16xf32>
        %swap3A_184 = vector.shape_cast %mul3A_179 : vector<16xf32> to vector<1x16xf32>
        tpu.vector_store %arg21[%swap3A_180, %swap3A_181], %swap3A_184 {strides = array<i32>} : memref<40x144xf32, #tpu.memory_space<vmem>>, vector<1x16xf32>,
        %slice3A_185 = vector.extract_strided_slice %exp3A {offsets = [2], sizes = [1], strides = [1]} : vector<16xf32> to vector<1xf32>
        %squeeze3A_186 = vector.extract %slice3A_185[0] : f32 from vector<1xf32>
        %broadcast_in_dim3A_187 = vector.broadcast %squeeze3A_186 : f32 to vector<16xf32>
        %get3A_188 = arith.index_cast %scan3A_128 : i32 to index
        %get3A_189 = arith.constant 32 : index
        %get3A_190 = tpu.vector_load %arg17[%get3A_188, %get3A_189] {strides = array<i32>} : memref<40x144xf32, #tpu.memory_space<vmem>>, vector<1x16xf32>,
        %get3A_191 = vector.shape_cast %get3A_190 : vector<1x16xf32> to vector<16xf32>
        %get3A_192 = arith.index_cast %scan3A_128 : i32 to index
        %get3A_193 = arith.constant 32 : index
        %get3A_194 = tpu.vector_load %arg19[%get3A_192, %get3A_193] {strides = array<i32>} : memref<40x144xf32, #tpu.memory_space<vmem>>, vector<1x16xf32>,
        %get3A_195 = vector.shape_cast %get3A_194 : vector<1x16xf32> to vector<16xf32>
        %add3A_196 = arith.addf %get3A_191, %get3A_195 : vector<16xf32>
        %mul3A_197 = arith.mulf %add3A_196, %broadcast_in_dim3A_187 : vector<16xf32>
        %swap3A_198 = arith.index_cast %scan3A_128 : i32 to index
        %swap3A_199 = arith.constant 32 : index
        %swap3A_200 = tpu.vector_load %arg21[%swap3A_198, %swap3A_199] {strides = array<i32>} : memref<40x144xf32, #tpu.memory_space<vmem>>, vector<1x16xf32>,
        %swap3A_201 = vector.shape_cast %swap3A_200 : vector<1x16xf32> to vector<16xf32>
        %swap3A_202 = vector.shape_cast %mul3A_197 : vector<16xf32> to vector<1x16xf32>
        tpu.vector_store %arg21[%swap3A_198, %swap3A_199], %swap3A_202 {strides = array<i32>} : memref<40x144xf32, #tpu.memory_space<vmem>>, vector<1x16xf32>,
        %slice3A_203 = vector.extract_strided_slice %exp3A {offsets = [3], sizes = [1], strides = [1]} : vector<16xf32> to vector<1xf32>
        %squeeze3A_204 = vector.extract %slice3A_203[0] : f32 from vector<1xf32>
        %broadcast_in_dim3A_205 = vector.broadcast %squeeze3A_204 : f32 to vector<16xf32>
        %get3A_206 = arith.index_cast %scan3A_128 : i32 to index
        %get3A_207 = arith.constant 48 : index
        %get3A_208 = tpu.vector_load %arg17[%get3A_206, %get3A_207] {strides = array<i32>} : memref<40x144xf32, #tpu.memory_space<vmem>>, vector<1x16xf32>,
        %get3A_209 = vector.shape_cast %get3A_208 : vector<1x16xf32> to vector<16xf32>
        %get3A_210 = arith.index_cast %scan3A_128 : i32 to index
        %get3A_211 = arith.constant 48 : index
        %get3A_212 = tpu.vector_load %arg19[%get3A_210, %get3A_211] {strides = array<i32>} : memref<40x144xf32, #tpu.memory_space<vmem>>, vector<1x16xf32>,
        %get3A_213 = vector.shape_cast %get3A_212 : vector<1x16xf32> to vector<16xf32>
        %add3A_214 = arith.addf %get3A_209, %get3A_213 : vector<16xf32>
        %mul3A_215 = arith.mulf %add3A_214, %broadcast_in_dim3A_205 : vector<16xf32>
        %swap3A_216 = arith.index_cast %scan3A_128 : i32 to index
        %swap3A_217 = arith.constant 48 : index
        %swap3A_218 = tpu.vector_load %arg21[%swap3A_216, %swap3A_217] {strides = array<i32>} : memref<40x144xf32, #tpu.memory_space<vmem>>, vector<1x16xf32>,
        %swap3A_219 = vector.shape_cast %swap3A_218 : vector<1x16xf32> to vector<16xf32>
        %swap3A_220 = vector.shape_cast %mul3A_215 : vector<16xf32> to vector<1x16xf32>
        tpu.vector_store %arg21[%swap3A_216, %swap3A_217], %swap3A_220 {strides = array<i32>} : memref<40x144xf32, #tpu.memory_space<vmem>>, vector<1x16xf32>,
        %slice3A_221 = vector.extract_strided_slice %exp3A {offsets = [4], sizes = [1], strides = [1]} : vector<16xf32> to vector<1xf32>
        %squeeze3A_222 = vector.extract %slice3A_221[0] : f32 from vector<1xf32>
        %broadcast_in_dim3A_223 = vector.broadcast %squeeze3A_222 : f32 to vector<16xf32>
        %get3A_224 = arith.index_cast %scan3A_128 : i32 to index
        %get3A_225 = arith.constant 64 : index
        %get3A_226 = tpu.vector_load %arg17[%get3A_224, %get3A_225] {strides = array<i32>} : memref<40x144xf32, #tpu.memory_space<vmem>>, vector<1x16xf32>,
        %get3A_227 = vector.shape_cast %get3A_226 : vector<1x16xf32> to vector<16xf32>
        %get3A_228 = arith.index_cast %scan3A_128 : i32 to index
        %get3A_229 = arith.constant 64 : index
        %get3A_230 = tpu.vector_load %arg19[%get3A_228, %get3A_229] {strides = array<i32>} : memref<40x144xf32, #tpu.memory_space<vmem>>, vector<1x16xf32>,
        %get3A_231 = vector.shape_cast %get3A_230 : vector<1x16xf32> to vector<16xf32>
        %add3A_232 = arith.addf %get3A_227, %get3A_231 : vector<16xf32>
        %mul3A_233 = arith.mulf %add3A_232, %broadcast_in_dim3A_223 : vector<16xf32>
        %swap3A_234 = arith.index_cast %scan3A_128 : i32 to index
        %swap3A_235 = arith.constant 64 : index
        %swap3A_236 = tpu.vector_load %arg21[%swap3A_234, %swap3A_235] {strides = array<i32>} : memref<40x144xf32, #tpu.memory_space<vmem>>, vector<1x16xf32>,
        %swap3A_237 = vector.shape_cast %swap3A_236 : vector<1x16xf32> to vector<16xf32>
        %swap3A_238 = vector.shape_cast %mul3A_233 : vector<16xf32> to vector<1x16xf32>
        tpu.vector_store %arg21[%swap3A_234, %swap3A_235], %swap3A_238 {strides = array<i32>} : memref<40x144xf32, #tpu.memory_space<vmem>>, vector<1x16xf32>,
        %slice3A_239 = vector.extract_strided_slice %exp3A {offsets = [5], sizes = [1], strides = [1]} : vector<16xf32> to vector<1xf32>
        %squeeze3A_240 = vector.extract %slice3A_239[0] : f32 from vector<1xf32>
        %broadcast_in_dim3A_241 = vector.broadcast %squeeze3A_240 : f32 to vector<16xf32>
        %get3A_242 = arith.index_cast %scan3A_128 : i32 to index
        %get3A_243 = arith.constant 80 : index
        %get3A_244 = tpu.vector_load %arg17[%get3A_242, %get3A_243] {strides = array<i32>} : memref<40x144xf32, #tpu.memory_space<vmem>>, vector<1x16xf32>,
        %get3A_245 = vector.shape_cast %get3A_244 : vector<1x16xf32> to vector<16xf32>
        %get3A_246 = arith.index_cast %scan3A_128 : i32 to index
        %get3A_247 = arith.constant 80 : index
        %get3A_248 = tpu.vector_load %arg19[%get3A_246, %get3A_247] {strides = array<i32>} : memref<40x144xf32, #tpu.memory_space<vmem>>, vector<1x16xf32>,
        %get3A_249 = vector.shape_cast %get3A_248 : vector<1x16xf32> to vector<16xf32>
        %add3A_250 = arith.addf %get3A_245, %get3A_249 : vector<16xf32>
        %mul3A_251 = arith.mulf %add3A_250, %broadcast_in_dim3A_241 : vector<16xf32>
        %swap3A_252 = arith.index_cast %scan3A_128 : i32 to index
        %swap3A_253 = arith.constant 80 : index
        %swap3A_254 = tpu.vector_load %arg21[%swap3A_252, %swap3A_253] {strides = array<i32>} : memref<40x144xf32, #tpu.memory_space<vmem>>, vector<1x16xf32>,
        %swap3A_255 = vector.shape_cast %swap3A_254 : vector<1x16xf32> to vector<16xf32>
        %swap3A_256 = vector.shape_cast %mul3A_251 : vector<16xf32> to vector<1x16xf32>
        tpu.vector_store %arg21[%swap3A_252, %swap3A_253], %swap3A_256 {strides = array<i32>} : memref<40x144xf32, #tpu.memory_space<vmem>>, vector<1x16xf32>,
        %slice3A_257 = vector.extract_strided_slice %exp3A {offsets = [6], sizes = [1], strides = [1]} : vector<16xf32> to vector<1xf32>
        %squeeze3A_258 = vector.extract %slice3A_257[0] : f32 from vector<1xf32>
        %broadcast_in_dim3A_259 = vector.broadcast %squeeze3A_258 : f32 to vector<16xf32>
        %get3A_260 = arith.index_cast %scan3A_128 : i32 to index
        %get3A_261 = arith.constant 96 : index
        %get3A_262 = tpu.vector_load %arg17[%get3A_260, %get3A_261] {strides = array<i32>} : memref<40x144xf32, #tpu.memory_space<vmem>>, vector<1x16xf32>,
        %get3A_263 = vector.shape_cast %get3A_262 : vector<1x16xf32> to vector<16xf32>
        %get3A_264 = arith.index_cast %scan3A_128 : i32 to index
        %get3A_265 = arith.constant 96 : index
        %get3A_266 = tpu.vector_load %arg19[%get3A_264, %get3A_265] {strides = array<i32>} : memref<40x144xf32, #tpu.memory_space<vmem>>, vector<1x16xf32>,
        %get3A_267 = vector.shape_cast %get3A_266 : vector<1x16xf32> to vector<16xf32>
        %add3A_268 = arith.addf %get3A_263, %get3A_267 : vector<16xf32>
        %mul3A_269 = arith.mulf %add3A_268, %broadcast_in_dim3A_259 : vector<16xf32>
        %swap3A_270 = arith.index_cast %scan3A_128 : i32 to index
        %swap3A_271 = arith.constant 96 : index
        %swap3A_272 = tpu.vector_load %arg21[%swap3A_270, %swap3A_271] {strides = array<i32>} : memref<40x144xf32, #tpu.memory_space<vmem>>, vector<1x16xf32>,
        %swap3A_273 = vector.shape_cast %swap3A_272 : vector<1x16xf32> to vector<16xf32>
        %swap3A_274 = vector.shape_cast %mul3A_269 : vector<16xf32> to vector<1x16xf32>
        tpu.vector_store %arg21[%swap3A_270, %swap3A_271], %swap3A_274 {strides = array<i32>} : memref<40x144xf32, #tpu.memory_space<vmem>>, vector<1x16xf32>,
        %slice3A_275 = vector.extract_strided_slice %exp3A {offsets = [7], sizes = [1], strides = [1]} : vector<16xf32> to vector<1xf32>
        %squeeze3A_276 = vector.extract %slice3A_275[0] : f32 from vector<1xf32>
        %broadcast_in_dim3A_277 = vector.broadcast %squeeze3A_276 : f32 to vector<16xf32>
        %get3A_278 = arith.index_cast %scan3A_128 : i32 to index
        %get3A_279 = arith.constant 112 : index
        %get3A_280 = tpu.vector_load %arg17[%get3A_278, %get3A_279] {strides = array<i32>} : memref<40x144xf32, #tpu.memory_space<vmem>>, vector<1x16xf32>,
        %get3A_281 = vector.shape_cast %get3A_280 : vector<1x16xf32> to vector<16xf32>
        %get3A_282 = arith.index_cast %scan3A_128 : i32 to index
        %get3A_283 = arith.constant 112 : index
        %get3A_284 = tpu.vector_load %arg19[%get3A_282, %get3A_283] {strides = array<i32>} : memref<40x144xf32, #tpu.memory_space<vmem>>, vector<1x16xf32>,
        %get3A_285 = vector.shape_cast %get3A_284 : vector<1x16xf32> to vector<16xf32>
        %add3A_286 = arith.addf %get3A_281, %get3A_285 : vector<16xf32>
        %mul3A_287 = arith.mulf %add3A_286, %broadcast_in_dim3A_277 : vector<16xf32>
        %swap3A_288 = arith.index_cast %scan3A_128 : i32 to index
        %swap3A_289 = arith.constant 112 : index
        %swap3A_290 = tpu.vector_load %arg21[%swap3A_288, %swap3A_289] {strides = array<i32>} : memref<40x144xf32, #tpu.memory_space<vmem>>, vector<1x16xf32>,
        %swap3A_291 = vector.shape_cast %swap3A_290 : vector<1x16xf32> to vector<16xf32>
        %swap3A_292 = vector.shape_cast %mul3A_287 : vector<16xf32> to vector<1x16xf32>
        tpu.vector_store %arg21[%swap3A_288, %swap3A_289], %swap3A_292 {strides = array<i32>} : memref<40x144xf32, #tpu.memory_space<vmem>>, vector<1x16xf32>,
      }
      %scan3A_122 = arith.constant 40 : i32
      "tpu.region"() ({
        %run_scoped3A = tpu.sem_alloc : memref<!tpu.dma_semaphore, #tpu.memory_space<semaphore_mem>>
        %dma_start3A_128 = arith.constant 0 : i32
        %dma_start3A_129 = arith.constant 0 : i32
        %dma_start3A_130 = tpu.memref_slice %arg23[%dma_start3A_128, %dma_start3A_129] : memref<10000x144xf32, #tpu.memory_space<vmem_shared>> -> memref<10000x144xf32, #tpu.memory_space<vmem_shared>>
        tpu.enqueue_indirect_dma source(%arg21 : memref<40x144xf32, #tpu.memory_space<vmem>>) target(%dma_start3A_130 : memref<10000x144xf32, #tpu.memory_space<vmem_shared>>) offsets(%arg13 : memref<40xi32, #tpu.memory_space<vmem>>) semaphore(%run_scoped3A : memref<!tpu.dma_semaphore, #tpu.memory_space<semaphore_mem>>) {add = true}
        %dma_wait3A_131 = arith.constant 0 : i32
        %dma_wait3A_132 = arith.constant 0 : i32
        %dma_wait3A_133 = tpu.memref_slice %arg23[%dma_wait3A_131, %dma_wait3A_132] : memref<10000x144xf32, #tpu.memory_space<vmem_shared>> -> memref<10000x144xf32, #tpu.memory_space<vmem_shared>>
        tpu.wait_indirect_dma semaphore(%run_scoped3A : memref<!tpu.dma_semaphore, #tpu.memory_space<semaphore_mem>>) src(%arg21 : memref<40x144xf32, #tpu.memory_space<vmem>>) dst(%dma_wait3A_133 : memref<10000x144xf32, #tpu.memory_space<vmem_shared>>)
        tpu.yield
      }) : () -> ()
      %lt3A_123 = arith.constant 124 : i32
      %lt3A_124 = arith.cmpi slt, %scan3A_63, %lt3A_123 : i32
      %convert_element_type3A_125 = arith.extui %lt3A_124 : i1 to i32
      %cond3A_126 = arith.constant 0 : i32
      %cond3A_127 = arith.cmpi ne, %convert_element_type3A_125, %cond3A_126 : i32
      scf.if %cond3A_127 {
        %mul3A_128 = arith.constant 2 : i32
        %mul3A_129 = arith.muli %mul3A_128, %scan3A_63 : i32
        %add3A_130 = arith.constant 3 : i32
        %add3A_131 = arith.addi %mul3A_129, %add3A_130 : i32
        %mul3A_132 = arith.constant 16 : i32
        %mul3A_133 = arith.muli %add3A_131, %mul3A_132 : i32
        %add3A_134 = arith.addi %mul3A_133, %arg1 : i32
        %mul3A_135 = arith.constant 40 : i32
        %mul3A_136 = arith.muli %add3A_134, %mul3A_135 : i32
        %add3A_137 = arith.addi %mul3A_0, %mul3A_136 : i32
        %dma_start3A_138 = tpu.memref_slice %arg2[%add3A_137] : memref<320000xi32, #tpu.memory_space<hbm>> -> memref<40xi32, #tpu.memory_space<hbm>>
        %dma_start3A_139 = tpu.memref_slice %arg2[%add3A_137] : memref<320000xi32, #tpu.memory_space<hbm>> -> memref<40xi32, #tpu.memory_space<hbm>>
        tpu.enqueue_dma source(%dma_start3A_139 : memref<40xi32, #tpu.memory_space<hbm>>) target(%arg11 : memref<40xi32, #tpu.memory_space<vmem>>) target_semaphore(%arg25 : memref<!tpu.dma_semaphore, #tpu.memory_space<semaphore_mem>>)
        %dma_start3A_140 = tpu.memref_slice %arg3[%add3A_137] : memref<320000xi32, #tpu.memory_space<hbm>> -> memref<40xi32, #tpu.memory_space<hbm>>
        %dma_start3A_141 = tpu.memref_slice %arg3[%add3A_137] : memref<320000xi32, #tpu.memory_space<hbm>> -> memref<40xi32, #tpu.memory_space<hbm>>
        tpu.enqueue_dma source(%dma_start3A_141 : memref<40xi32, #tpu.memory_space<hbm>>) target(%arg13 : memref<40xi32, #tpu.memory_space<vmem>>) target_semaphore(%arg25 : memref<!tpu.dma_semaphore, #tpu.memory_space<semaphore_mem>>)
        %dma_start3A_142 = arith.constant 0 : i32
        %dma_start3A_143 = tpu.memref_slice %arg6[%add3A_137, %dma_start3A_142] : memref<320000x144xf32, #tpu.memory_space<hbm>> -> memref<40x144xf32, #tpu.memory_space<hbm>>
        %dma_start3A_144 = arith.constant 0 : i32
        %dma_start3A_145 = tpu.memref_slice %arg6[%add3A_137, %dma_start3A_144] : memref<320000x144xf32, #tpu.memory_space<hbm>> -> memref<40x144xf32, #tpu.memory_space<hbm>>
        tpu.enqueue_dma source(%dma_start3A_145 : memref<40x144xf32, #tpu.memory_space<hbm>>) target(%arg19 : memref<40x144xf32, #tpu.memory_space<vmem>>) target_semaphore(%arg25 : memref<!tpu.dma_semaphore, #tpu.memory_space<semaphore_mem>>)
      } else {
      }
    }
    %scan3A_52 = arith.constant 125 : i32
    %lt3A = arith.constant 0 : i32
    %lt3A_53 = arith.cmpi slt, %arg1, %lt3A : i32
    %convert_element_type3A_54 = arith.extui %lt3A_53 : i1 to i32
    %cond3A_55 = arith.constant 0 : i32
    %cond3A_56 = arith.cmpi ne, %convert_element_type3A_54, %cond3A_55 : i32
    scf.if %cond3A_56 {
      %add3A_63 = arith.constant 4000 : i32
      %add3A_64 = arith.addi %add3A_63, %arg1 : i32
      %mul3A_65 = arith.constant 40 : i32
      %mul3A_66 = arith.muli %add3A_64, %mul3A_65 : i32
      %add3A_67 = arith.addi %mul3A_0, %mul3A_66 : i32
      %dma_start3A_68 = tpu.memref_slice %arg2[%add3A_67] : memref<320000xi32, #tpu.memory_space<hbm>> -> memref<40xi32, #tpu.memory_space<hbm>>
      %dma_start3A_69 = tpu.memref_slice %arg2[%add3A_67] : memref<320000xi32, #tpu.memory_space<hbm>> -> memref<40xi32, #tpu.memory_space<hbm>>
      tpu.enqueue_dma source(%dma_start3A_69 : memref<40xi32, #tpu.memory_space<hbm>>) target(%arg10 : memref<40xi32, #tpu.memory_space<vmem>>) target_semaphore(%arg24 : memref<!tpu.dma_semaphore, #tpu.memory_space<semaphore_mem>>)
      %dma_start3A_70 = tpu.memref_slice %arg3[%add3A_67] : memref<320000xi32, #tpu.memory_space<hbm>> -> memref<40xi32, #tpu.memory_space<hbm>>
      %dma_start3A_71 = tpu.memref_slice %arg3[%add3A_67] : memref<320000xi32, #tpu.memory_space<hbm>> -> memref<40xi32, #tpu.memory_space<hbm>>
      tpu.enqueue_dma source(%dma_start3A_71 : memref<40xi32, #tpu.memory_space<hbm>>) target(%arg12 : memref<40xi32, #tpu.memory_space<vmem>>) target_semaphore(%arg24 : memref<!tpu.dma_semaphore, #tpu.memory_space<semaphore_mem>>)
      %dma_start3A_72 = arith.constant 0 : i32
      %dma_start3A_73 = tpu.memref_slice %arg6[%add3A_67, %dma_start3A_72] : memref<320000x144xf32, #tpu.memory_space<hbm>> -> memref<40x144xf32, #tpu.memory_space<hbm>>
      %dma_start3A_74 = arith.constant 0 : i32
      %dma_start3A_75 = tpu.memref_slice %arg6[%add3A_67, %dma_start3A_74] : memref<320000x144xf32, #tpu.memory_space<hbm>> -> memref<40x144xf32, #tpu.memory_space<hbm>>
      tpu.enqueue_dma source(%dma_start3A_75 : memref<40x144xf32, #tpu.memory_space<hbm>>) target(%arg18 : memref<40x144xf32, #tpu.memory_space<vmem>>) target_semaphore(%arg24 : memref<!tpu.dma_semaphore, #tpu.memory_space<semaphore_mem>>)
      %dma_wait3A_76 = arith.constant 0 : i32
      %dma_wait3A_77 = tpu.memref_slice %arg2[%dma_wait3A_76] : memref<320000xi32, #tpu.memory_space<hbm>> -> memref<40xi32, #tpu.memory_space<hbm>>
      %dma_wait3A_78 = arith.constant 0 : i32
      %dma_wait3A_79 = tpu.memref_slice %arg2[%dma_wait3A_78] : memref<320000xi32, #tpu.memory_space<hbm>> -> memref<40xi32, #tpu.memory_space<hbm>>
      tpu.wait_dma2 semaphore(%arg24 : memref<!tpu.dma_semaphore, #tpu.memory_space<semaphore_mem>>) src(%dma_wait3A_79 : memref<40xi32, #tpu.memory_space<hbm>>) dst(%arg10 : memref<40xi32, #tpu.memory_space<vmem>>)
      %dma_wait3A_80 = arith.constant 0 : i32
      %dma_wait3A_81 = tpu.memref_slice %arg3[%dma_wait3A_80] : memref<320000xi32, #tpu.memory_space<hbm>> -> memref<40xi32, #tpu.memory_space<hbm>>
      %dma_wait3A_82 = arith.constant 0 : i32
      %dma_wait3A_83 = tpu.memref_slice %arg3[%dma_wait3A_82] : memref<320000xi32, #tpu.memory_space<hbm>> -> memref<40xi32, #tpu.memory_space<hbm>>
      tpu.wait_dma2 semaphore(%arg24 : memref<!tpu.dma_semaphore, #tpu.memory_space<semaphore_mem>>) src(%dma_wait3A_83 : memref<40xi32, #tpu.memory_space<hbm>>) dst(%arg12 : memref<40xi32, #tpu.memory_space<vmem>>)
      %dma_wait3A_84 = arith.constant 0 : i32
      %dma_wait3A_85 = arith.constant 0 : i32
      %dma_wait3A_86 = tpu.memref_slice %arg6[%dma_wait3A_84, %dma_wait3A_85] : memref<320000x144xf32, #tpu.memory_space<hbm>> -> memref<40x144xf32, #tpu.memory_space<hbm>>
      %dma_wait3A_87 = arith.constant 0 : i32
      %dma_wait3A_88 = arith.constant 0 : i32
      %dma_wait3A_89 = tpu.memref_slice %arg6[%dma_wait3A_87, %dma_wait3A_88] : memref<320000x144xf32, #tpu.memory_space<hbm>> -> memref<40x144xf32, #tpu.memory_space<hbm>>
      tpu.wait_dma2 semaphore(%arg24 : memref<!tpu.dma_semaphore, #tpu.memory_space<semaphore_mem>>) src(%dma_wait3A_89 : memref<40x144xf32, #tpu.memory_space<hbm>>) dst(%arg18 : memref<40x144xf32, #tpu.memory_space<vmem>>)
      %dma_start3A_90 = arith.constant 0 : i32
      %dma_start3A_91 = arith.constant 0 : i32
      %dma_start3A_92 = tpu.memref_slice %arg4[%dma_start3A_90, %dma_start3A_91] : memref<10000x144xf32, #tpu.memory_space<hbm>> -> memref<10000x144xf32, #tpu.memory_space<hbm>>
      tpu.enqueue_indirect_dma source(%dma_start3A_92 : memref<10000x144xf32, #tpu.memory_space<hbm>>) target(%arg16 : memref<40x144xf32, #tpu.memory_space<vmem>>) offsets(%arg10 : memref<40xi32, #tpu.memory_space<vmem>>) semaphore(%arg26 : memref<!tpu.dma_semaphore, #tpu.memory_space<semaphore_mem>>)
      %dma_start3A_93 = arith.constant 0 : i32
      %dma_start3A_94 = arith.constant 0 : i32
      %dma_start3A_95 = tpu.memref_slice %arg5[%dma_start3A_93, %dma_start3A_94] : memref<10000x16xf32, #tpu.memory_space<hbm>> -> memref<10000x16xf32, #tpu.memory_space<hbm>>
      tpu.enqueue_indirect_dma source(%dma_start3A_95 : memref<10000x16xf32, #tpu.memory_space<hbm>>) target(%arg14 : memref<40x16xf32, #tpu.memory_space<vmem>>) offsets(%arg12 : memref<40xi32, #tpu.memory_space<vmem>>) semaphore(%arg26 : memref<!tpu.dma_semaphore, #tpu.memory_space<semaphore_mem>>)
      %dma_wait3A_96 = arith.constant 0 : i32
      %dma_wait3A_97 = arith.constant 0 : i32
      %dma_wait3A_98 = tpu.memref_slice %arg4[%dma_wait3A_96, %dma_wait3A_97] : memref<10000x144xf32, #tpu.memory_space<hbm>> -> memref<10000x144xf32, #tpu.memory_space<hbm>>
      tpu.wait_indirect_dma semaphore(%arg26 : memref<!tpu.dma_semaphore, #tpu.memory_space<semaphore_mem>>) src(%dma_wait3A_98 : memref<10000x144xf32, #tpu.memory_space<hbm>>) dst(%arg16 : memref<40x144xf32, #tpu.memory_space<vmem>>)
      %dma_wait3A_99 = arith.constant 0 : i32
      %dma_wait3A_100 = arith.constant 0 : i32
      %dma_wait3A_101 = tpu.memref_slice %arg5[%dma_wait3A_99, %dma_wait3A_100] : memref<10000x16xf32, #tpu.memory_space<hbm>> -> memref<10000x16xf32, #tpu.memory_space<hbm>>
      tpu.wait_indirect_dma semaphore(%arg26 : memref<!tpu.dma_semaphore, #tpu.memory_space<semaphore_mem>>) src(%dma_wait3A_101 : memref<10000x16xf32, #tpu.memory_space<hbm>>) dst(%arg14 : memref<40x16xf32, #tpu.memory_space<vmem>>)
      %get3A = arith.constant 0 : index
      %get3A_102 = tpu.vector_load %arg22[%get3A] {strides = array<i32>} : memref<16xf32, #tpu.memory_space<vmem>>, vector<16xf32>,
      %get3A_103 = vector.shape_cast %get3A_102 : vector<16xf32> to vector<16xf32>
      %scan3A_104 = arith.constant 0 : i32
      %scan3A_105 = arith.constant 0 : i32
      %scan3A_106 = arith.constant 40 : i32
      %scan3A_107 = arith.addi %scan3A_105, %scan3A_106 : i32
      %scan3A_108 = arith.constant 1 : i32
      scf.for %scan3A_110 = %scan3A_105 to %scan3A_107 step %scan3A_108  : i32 {
        %get3A_111 = arith.index_cast %scan3A_110 : i32 to index
        %get3A_112 = arith.constant 128 : index
        %get3A_113 = tpu.vector_load %arg16[%get3A_111, %get3A_112] {strides = array<i32>} : memref<40x144xf32, #tpu.memory_space<vmem>>, vector<1x16xf32>,
        %get3A_114 = vector.shape_cast %get3A_113 : vector<1x16xf32> to vector<16xf32>
        %get3A_115 = arith.index_cast %scan3A_110 : i32 to index
        %get3A_116 = arith.constant 0 : index
        %get3A_117 = tpu.vector_load %arg14[%get3A_115, %get3A_116] {strides = array<i32>} : memref<40x16xf32, #tpu.memory_space<vmem>>, vector<1x16xf32>,
        %get3A_118 = vector.shape_cast %get3A_117 : vector<1x16xf32> to vector<16xf32>
        %add3A_119 = arith.addf %get3A_114, %get3A_118 : vector<16xf32>
        %get3A_120 = arith.index_cast %scan3A_110 : i32 to index
        %get3A_121 = arith.constant 128 : index
        %get3A_122 = tpu.vector_load %arg18[%get3A_120, %get3A_121] {strides = array<i32>} : memref<40x144xf32, #tpu.memory_space<vmem>>, vector<1x16xf32>,
        %get3A_123 = vector.shape_cast %get3A_122 : vector<1x16xf32> to vector<16xf32>
        %add3A_124 = arith.addf %add3A_119, %get3A_123 : vector<16xf32>
        %gt3A = arith.constant 0.000000e+00 : f32
        %gt3A_125 = vector.broadcast %gt3A : f32 to vector<16xf32>
        %gt3A_126 = arith.cmpf ogt, %add3A_124, %gt3A_125 : vector<16xf32>
        %mul3A_127 = arith.constant 2.000000e-01 : f32
        %mul3A_128 = vector.broadcast %mul3A_127 : f32 to vector<16xf32>
        %mul3A_129 = arith.mulf %mul3A_128, %add3A_124 : vector<16xf32>
        %select_n3A = arith.select %gt3A_126, %add3A_124, %mul3A_129 : vector<16xi1>, vector<16xf32>
        %sub3A = arith.subf %select_n3A, %get3A_103 : vector<16xf32>
        %exp3A = math.exp %sub3A : vector<16xf32>
        %swap3A = arith.index_cast %scan3A_110 : i32 to index
        %swap3A_130 = arith.constant 128 : index
        %swap3A_131 = tpu.vector_load %arg20[%swap3A, %swap3A_130] {strides = array<i32>} : memref<40x144xf32, #tpu.memory_space<vmem>>, vector<1x16xf32>,
        %swap3A_132 = vector.shape_cast %swap3A_131 : vector<1x16xf32> to vector<16xf32>
        %swap3A_133 = vector.shape_cast %exp3A : vector<16xf32> to vector<1x16xf32>
        tpu.vector_store %arg20[%swap3A, %swap3A_130], %swap3A_133 {strides = array<i32>} : memref<40x144xf32, #tpu.memory_space<vmem>>, vector<1x16xf32>,
        %slice3A = vector.extract_strided_slice %exp3A {offsets = [0], sizes = [1], strides = [1]} : vector<16xf32> to vector<1xf32>
        %squeeze3A = vector.extract %slice3A[0] : f32 from vector<1xf32>
        %broadcast_in_dim3A = vector.broadcast %squeeze3A : f32 to vector<16xf32>
        %get3A_134 = arith.index_cast %scan3A_110 : i32 to index
        %get3A_135 = arith.constant 0 : index
        %get3A_136 = tpu.vector_load %arg16[%get3A_134, %get3A_135] {strides = array<i32>} : memref<40x144xf32, #tpu.memory_space<vmem>>, vector<1x16xf32>,
        %get3A_137 = vector.shape_cast %get3A_136 : vector<1x16xf32> to vector<16xf32>
        %get3A_138 = arith.index_cast %scan3A_110 : i32 to index
        %get3A_139 = arith.constant 0 : index
        %get3A_140 = tpu.vector_load %arg18[%get3A_138, %get3A_139] {strides = array<i32>} : memref<40x144xf32, #tpu.memory_space<vmem>>, vector<1x16xf32>,
        %get3A_141 = vector.shape_cast %get3A_140 : vector<1x16xf32> to vector<16xf32>
        %add3A_142 = arith.addf %get3A_137, %get3A_141 : vector<16xf32>
        %mul3A_143 = arith.mulf %add3A_142, %broadcast_in_dim3A : vector<16xf32>
        %swap3A_144 = arith.index_cast %scan3A_110 : i32 to index
        %swap3A_145 = arith.constant 0 : index
        %swap3A_146 = tpu.vector_load %arg20[%swap3A_144, %swap3A_145] {strides = array<i32>} : memref<40x144xf32, #tpu.memory_space<vmem>>, vector<1x16xf32>,
        %swap3A_147 = vector.shape_cast %swap3A_146 : vector<1x16xf32> to vector<16xf32>
        %swap3A_148 = vector.shape_cast %mul3A_143 : vector<16xf32> to vector<1x16xf32>
        tpu.vector_store %arg20[%swap3A_144, %swap3A_145], %swap3A_148 {strides = array<i32>} : memref<40x144xf32, #tpu.memory_space<vmem>>, vector<1x16xf32>,
        %slice3A_149 = vector.extract_strided_slice %exp3A {offsets = [1], sizes = [1], strides = [1]} : vector<16xf32> to vector<1xf32>
        %squeeze3A_150 = vector.extract %slice3A_149[0] : f32 from vector<1xf32>
        %broadcast_in_dim3A_151 = vector.broadcast %squeeze3A_150 : f32 to vector<16xf32>
        %get3A_152 = arith.index_cast %scan3A_110 : i32 to index
        %get3A_153 = arith.constant 16 : index
        %get3A_154 = tpu.vector_load %arg16[%get3A_152, %get3A_153] {strides = array<i32>} : memref<40x144xf32, #tpu.memory_space<vmem>>, vector<1x16xf32>,
        %get3A_155 = vector.shape_cast %get3A_154 : vector<1x16xf32> to vector<16xf32>
        %get3A_156 = arith.index_cast %scan3A_110 : i32 to index
        %get3A_157 = arith.constant 16 : index
        %get3A_158 = tpu.vector_load %arg18[%get3A_156, %get3A_157] {strides = array<i32>} : memref<40x144xf32, #tpu.memory_space<vmem>>, vector<1x16xf32>,
        %get3A_159 = vector.shape_cast %get3A_158 : vector<1x16xf32> to vector<16xf32>
        %add3A_160 = arith.addf %get3A_155, %get3A_159 : vector<16xf32>
        %mul3A_161 = arith.mulf %add3A_160, %broadcast_in_dim3A_151 : vector<16xf32>
        %swap3A_162 = arith.index_cast %scan3A_110 : i32 to index
        %swap3A_163 = arith.constant 16 : index
        %swap3A_164 = tpu.vector_load %arg20[%swap3A_162, %swap3A_163] {strides = array<i32>} : memref<40x144xf32, #tpu.memory_space<vmem>>, vector<1x16xf32>,
        %swap3A_165 = vector.shape_cast %swap3A_164 : vector<1x16xf32> to vector<16xf32>
        %swap3A_166 = vector.shape_cast %mul3A_161 : vector<16xf32> to vector<1x16xf32>
        tpu.vector_store %arg20[%swap3A_162, %swap3A_163], %swap3A_166 {strides = array<i32>} : memref<40x144xf32, #tpu.memory_space<vmem>>, vector<1x16xf32>,
        %slice3A_167 = vector.extract_strided_slice %exp3A {offsets = [2], sizes = [1], strides = [1]} : vector<16xf32> to vector<1xf32>
        %squeeze3A_168 = vector.extract %slice3A_167[0] : f32 from vector<1xf32>
        %broadcast_in_dim3A_169 = vector.broadcast %squeeze3A_168 : f32 to vector<16xf32>
        %get3A_170 = arith.index_cast %scan3A_110 : i32 to index
        %get3A_171 = arith.constant 32 : index
        %get3A_172 = tpu.vector_load %arg16[%get3A_170, %get3A_171] {strides = array<i32>} : memref<40x144xf32, #tpu.memory_space<vmem>>, vector<1x16xf32>,
        %get3A_173 = vector.shape_cast %get3A_172 : vector<1x16xf32> to vector<16xf32>
        %get3A_174 = arith.index_cast %scan3A_110 : i32 to index
        %get3A_175 = arith.constant 32 : index
        %get3A_176 = tpu.vector_load %arg18[%get3A_174, %get3A_175] {strides = array<i32>} : memref<40x144xf32, #tpu.memory_space<vmem>>, vector<1x16xf32>,
        %get3A_177 = vector.shape_cast %get3A_176 : vector<1x16xf32> to vector<16xf32>
        %add3A_178 = arith.addf %get3A_173, %get3A_177 : vector<16xf32>
        %mul3A_179 = arith.mulf %add3A_178, %broadcast_in_dim3A_169 : vector<16xf32>
        %swap3A_180 = arith.index_cast %scan3A_110 : i32 to index
        %swap3A_181 = arith.constant 32 : index
        %swap3A_182 = tpu.vector_load %arg20[%swap3A_180, %swap3A_181] {strides = array<i32>} : memref<40x144xf32, #tpu.memory_space<vmem>>, vector<1x16xf32>,
        %swap3A_183 = vector.shape_cast %swap3A_182 : vector<1x16xf32> to vector<16xf32>
        %swap3A_184 = vector.shape_cast %mul3A_179 : vector<16xf32> to vector<1x16xf32>
        tpu.vector_store %arg20[%swap3A_180, %swap3A_181], %swap3A_184 {strides = array<i32>} : memref<40x144xf32, #tpu.memory_space<vmem>>, vector<1x16xf32>,
        %slice3A_185 = vector.extract_strided_slice %exp3A {offsets = [3], sizes = [1], strides = [1]} : vector<16xf32> to vector<1xf32>
        %squeeze3A_186 = vector.extract %slice3A_185[0] : f32 from vector<1xf32>
        %broadcast_in_dim3A_187 = vector.broadcast %squeeze3A_186 : f32 to vector<16xf32>
        %get3A_188 = arith.index_cast %scan3A_110 : i32 to index
        %get3A_189 = arith.constant 48 : index
        %get3A_190 = tpu.vector_load %arg16[%get3A_188, %get3A_189] {strides = array<i32>} : memref<40x144xf32, #tpu.memory_space<vmem>>, vector<1x16xf32>,
        %get3A_191 = vector.shape_cast %get3A_190 : vector<1x16xf32> to vector<16xf32>
        %get3A_192 = arith.index_cast %scan3A_110 : i32 to index
        %get3A_193 = arith.constant 48 : index
        %get3A_194 = tpu.vector_load %arg18[%get3A_192, %get3A_193] {strides = array<i32>} : memref<40x144xf32, #tpu.memory_space<vmem>>, vector<1x16xf32>,
        %get3A_195 = vector.shape_cast %get3A_194 : vector<1x16xf32> to vector<16xf32>
        %add3A_196 = arith.addf %get3A_191, %get3A_195 : vector<16xf32>
        %mul3A_197 = arith.mulf %add3A_196, %broadcast_in_dim3A_187 : vector<16xf32>
        %swap3A_198 = arith.index_cast %scan3A_110 : i32 to index
        %swap3A_199 = arith.constant 48 : index
        %swap3A_200 = tpu.vector_load %arg20[%swap3A_198, %swap3A_199] {strides = array<i32>} : memref<40x144xf32, #tpu.memory_space<vmem>>, vector<1x16xf32>,
        %swap3A_201 = vector.shape_cast %swap3A_200 : vector<1x16xf32> to vector<16xf32>
        %swap3A_202 = vector.shape_cast %mul3A_197 : vector<16xf32> to vector<1x16xf32>
        tpu.vector_store %arg20[%swap3A_198, %swap3A_199], %swap3A_202 {strides = array<i32>} : memref<40x144xf32, #tpu.memory_space<vmem>>, vector<1x16xf32>,
        %slice3A_203 = vector.extract_strided_slice %exp3A {offsets = [4], sizes = [1], strides = [1]} : vector<16xf32> to vector<1xf32>
        %squeeze3A_204 = vector.extract %slice3A_203[0] : f32 from vector<1xf32>
        %broadcast_in_dim3A_205 = vector.broadcast %squeeze3A_204 : f32 to vector<16xf32>
        %get3A_206 = arith.index_cast %scan3A_110 : i32 to index
        %get3A_207 = arith.constant 64 : index
        %get3A_208 = tpu.vector_load %arg16[%get3A_206, %get3A_207] {strides = array<i32>} : memref<40x144xf32, #tpu.memory_space<vmem>>, vector<1x16xf32>,
        %get3A_209 = vector.shape_cast %get3A_208 : vector<1x16xf32> to vector<16xf32>
        %get3A_210 = arith.index_cast %scan3A_110 : i32 to index
        %get3A_211 = arith.constant 64 : index
        %get3A_212 = tpu.vector_load %arg18[%get3A_210, %get3A_211] {strides = array<i32>} : memref<40x144xf32, #tpu.memory_space<vmem>>, vector<1x16xf32>,
        %get3A_213 = vector.shape_cast %get3A_212 : vector<1x16xf32> to vector<16xf32>
        %add3A_214 = arith.addf %get3A_209, %get3A_213 : vector<16xf32>
        %mul3A_215 = arith.mulf %add3A_214, %broadcast_in_dim3A_205 : vector<16xf32>
        %swap3A_216 = arith.index_cast %scan3A_110 : i32 to index
        %swap3A_217 = arith.constant 64 : index
        %swap3A_218 = tpu.vector_load %arg20[%swap3A_216, %swap3A_217] {strides = array<i32>} : memref<40x144xf32, #tpu.memory_space<vmem>>, vector<1x16xf32>,
        %swap3A_219 = vector.shape_cast %swap3A_218 : vector<1x16xf32> to vector<16xf32>
        %swap3A_220 = vector.shape_cast %mul3A_215 : vector<16xf32> to vector<1x16xf32>
        tpu.vector_store %arg20[%swap3A_216, %swap3A_217], %swap3A_220 {strides = array<i32>} : memref<40x144xf32, #tpu.memory_space<vmem>>, vector<1x16xf32>,
        %slice3A_221 = vector.extract_strided_slice %exp3A {offsets = [5], sizes = [1], strides = [1]} : vector<16xf32> to vector<1xf32>
        %squeeze3A_222 = vector.extract %slice3A_221[0] : f32 from vector<1xf32>
        %broadcast_in_dim3A_223 = vector.broadcast %squeeze3A_222 : f32 to vector<16xf32>
        %get3A_224 = arith.index_cast %scan3A_110 : i32 to index
        %get3A_225 = arith.constant 80 : index
        %get3A_226 = tpu.vector_load %arg16[%get3A_224, %get3A_225] {strides = array<i32>} : memref<40x144xf32, #tpu.memory_space<vmem>>, vector<1x16xf32>,
        %get3A_227 = vector.shape_cast %get3A_226 : vector<1x16xf32> to vector<16xf32>
        %get3A_228 = arith.index_cast %scan3A_110 : i32 to index
        %get3A_229 = arith.constant 80 : index
        %get3A_230 = tpu.vector_load %arg18[%get3A_228, %get3A_229] {strides = array<i32>} : memref<40x144xf32, #tpu.memory_space<vmem>>, vector<1x16xf32>,
        %get3A_231 = vector.shape_cast %get3A_230 : vector<1x16xf32> to vector<16xf32>
        %add3A_232 = arith.addf %get3A_227, %get3A_231 : vector<16xf32>
        %mul3A_233 = arith.mulf %add3A_232, %broadcast_in_dim3A_223 : vector<16xf32>
        %swap3A_234 = arith.index_cast %scan3A_110 : i32 to index
        %swap3A_235 = arith.constant 80 : index
        %swap3A_236 = tpu.vector_load %arg20[%swap3A_234, %swap3A_235] {strides = array<i32>} : memref<40x144xf32, #tpu.memory_space<vmem>>, vector<1x16xf32>,
        %swap3A_237 = vector.shape_cast %swap3A_236 : vector<1x16xf32> to vector<16xf32>
        %swap3A_238 = vector.shape_cast %mul3A_233 : vector<16xf32> to vector<1x16xf32>
        tpu.vector_store %arg20[%swap3A_234, %swap3A_235], %swap3A_238 {strides = array<i32>} : memref<40x144xf32, #tpu.memory_space<vmem>>, vector<1x16xf32>,
        %slice3A_239 = vector.extract_strided_slice %exp3A {offsets = [6], sizes = [1], strides = [1]} : vector<16xf32> to vector<1xf32>
        %squeeze3A_240 = vector.extract %slice3A_239[0] : f32 from vector<1xf32>
        %broadcast_in_dim3A_241 = vector.broadcast %squeeze3A_240 : f32 to vector<16xf32>
        %get3A_242 = arith.index_cast %scan3A_110 : i32 to index
        %get3A_243 = arith.constant 96 : index
        %get3A_244 = tpu.vector_load %arg16[%get3A_242, %get3A_243] {strides = array<i32>} : memref<40x144xf32, #tpu.memory_space<vmem>>, vector<1x16xf32>,
        %get3A_245 = vector.shape_cast %get3A_244 : vector<1x16xf32> to vector<16xf32>
        %get3A_246 = arith.index_cast %scan3A_110 : i32 to index
        %get3A_247 = arith.constant 96 : index
        %get3A_248 = tpu.vector_load %arg18[%get3A_246, %get3A_247] {strides = array<i32>} : memref<40x144xf32, #tpu.memory_space<vmem>>, vector<1x16xf32>,
        %get3A_249 = vector.shape_cast %get3A_248 : vector<1x16xf32> to vector<16xf32>
        %add3A_250 = arith.addf %get3A_245, %get3A_249 : vector<16xf32>
        %mul3A_251 = arith.mulf %add3A_250, %broadcast_in_dim3A_241 : vector<16xf32>
        %swap3A_252 = arith.index_cast %scan3A_110 : i32 to index
        %swap3A_253 = arith.constant 96 : index
        %swap3A_254 = tpu.vector_load %arg20[%swap3A_252, %swap3A_253] {strides = array<i32>} : memref<40x144xf32, #tpu.memory_space<vmem>>, vector<1x16xf32>,
        %swap3A_255 = vector.shape_cast %swap3A_254 : vector<1x16xf32> to vector<16xf32>
        %swap3A_256 = vector.shape_cast %mul3A_251 : vector<16xf32> to vector<1x16xf32>
        tpu.vector_store %arg20[%swap3A_252, %swap3A_253], %swap3A_256 {strides = array<i32>} : memref<40x144xf32, #tpu.memory_space<vmem>>, vector<1x16xf32>,
        %slice3A_257 = vector.extract_strided_slice %exp3A {offsets = [7], sizes = [1], strides = [1]} : vector<16xf32> to vector<1xf32>
        %squeeze3A_258 = vector.extract %slice3A_257[0] : f32 from vector<1xf32>
        %broadcast_in_dim3A_259 = vector.broadcast %squeeze3A_258 : f32 to vector<16xf32>
        %get3A_260 = arith.index_cast %scan3A_110 : i32 to index
        %get3A_261 = arith.constant 112 : index
        %get3A_262 = tpu.vector_load %arg16[%get3A_260, %get3A_261] {strides = array<i32>} : memref<40x144xf32, #tpu.memory_space<vmem>>, vector<1x16xf32>,
        %get3A_263 = vector.shape_cast %get3A_262 : vector<1x16xf32> to vector<16xf32>
        %get3A_264 = arith.index_cast %scan3A_110 : i32 to index
        %get3A_265 = arith.constant 112 : index
        %get3A_266 = tpu.vector_load %arg18[%get3A_264, %get3A_265] {strides = array<i32>} : memref<40x144xf32, #tpu.memory_space<vmem>>, vector<1x16xf32>,
        %get3A_267 = vector.shape_cast %get3A_266 : vector<1x16xf32> to vector<16xf32>
        %add3A_268 = arith.addf %get3A_263, %get3A_267 : vector<16xf32>
        %mul3A_269 = arith.mulf %add3A_268, %broadcast_in_dim3A_259 : vector<16xf32>
        %swap3A_270 = arith.index_cast %scan3A_110 : i32 to index
        %swap3A_271 = arith.constant 112 : index
        %swap3A_272 = tpu.vector_load %arg20[%swap3A_270, %swap3A_271] {strides = array<i32>} : memref<40x144xf32, #tpu.memory_space<vmem>>, vector<1x16xf32>,
        %swap3A_273 = vector.shape_cast %swap3A_272 : vector<1x16xf32> to vector<16xf32>
        %swap3A_274 = vector.shape_cast %mul3A_269 : vector<16xf32> to vector<1x16xf32>
        tpu.vector_store %arg20[%swap3A_270, %swap3A_271], %swap3A_274 {strides = array<i32>} : memref<40x144xf32, #tpu.memory_space<vmem>>, vector<1x16xf32>,
      }
      %scan3A_109 = arith.constant 40 : i32
      "tpu.region"() ({
        %run_scoped3A = tpu.sem_alloc : memref<!tpu.dma_semaphore, #tpu.memory_space<semaphore_mem>>
        %dma_start3A_110 = arith.constant 0 : i32
        %dma_start3A_111 = arith.constant 0 : i32
        %dma_start3A_112 = tpu.memref_slice %arg23[%dma_start3A_110, %dma_start3A_111] : memref<10000x144xf32, #tpu.memory_space<vmem_shared>> -> memref<10000x144xf32, #tpu.memory_space<vmem_shared>>
        tpu.enqueue_indirect_dma source(%arg20 : memref<40x144xf32, #tpu.memory_space<vmem>>) target(%dma_start3A_112 : memref<10000x144xf32, #tpu.memory_space<vmem_shared>>) offsets(%arg12 : memref<40xi32, #tpu.memory_space<vmem>>) semaphore(%run_scoped3A : memref<!tpu.dma_semaphore, #tpu.memory_space<semaphore_mem>>) {add = true}
        %dma_wait3A_113 = arith.constant 0 : i32
        %dma_wait3A_114 = arith.constant 0 : i32
        %dma_wait3A_115 = tpu.memref_slice %arg23[%dma_wait3A_113, %dma_wait3A_114] : memref<10000x144xf32, #tpu.memory_space<vmem_shared>> -> memref<10000x144xf32, #tpu.memory_space<vmem_shared>>
        tpu.wait_indirect_dma semaphore(%run_scoped3A : memref<!tpu.dma_semaphore, #tpu.memory_space<semaphore_mem>>) src(%arg20 : memref<40x144xf32, #tpu.memory_space<vmem>>) dst(%dma_wait3A_115 : memref<10000x144xf32, #tpu.memory_space<vmem_shared>>)
        tpu.yield
      }) : () -> ()
    } else {
    }
    %barrier3A_57 = arith.constant 0 : index
    tpu.barrier barrier_id(%barrier3A_57)
    "tpu.region"() ({
      %run_scoped3A = tpu.sem_alloc : memref<!tpu.dma_semaphore, #tpu.memory_space<semaphore_mem>>
      %dma_start3A_63 = arith.constant 0 : i32
      %dma_start3A_64 = tpu.memref_slice %arg9[%arg0, %mul3A_2, %dma_start3A_63] : memref<2x10000x144xf32, #tpu.memory_space<hbm>> -> memref<1x624x144xf32, #tpu.memory_space<hbm>>
      %dma_start3A_65 = tpu.memref_squeeze %dma_start3A_64 : memref<1x624x144xf32, #tpu.memory_space<hbm>> -> memref<624x144xf32, #tpu.memory_space<hbm>>
      %dma_start3A_66 = arith.constant 0 : i32
      %dma_start3A_67 = tpu.memref_slice %arg23[%mul3A_2, %dma_start3A_66] : memref<10000x144xf32, #tpu.memory_space<vmem_shared>> -> memref<624x144xf32, #tpu.memory_space<vmem_shared>>
      tpu.enqueue_dma source(%dma_start3A_67 : memref<624x144xf32, #tpu.memory_space<vmem_shared>>) target(%dma_start3A_65 : memref<624x144xf32, #tpu.memory_space<hbm>>) target_semaphore(%run_scoped3A : memref<!tpu.dma_semaphore, #tpu.memory_space<semaphore_mem>>)
      %dma_wait3A_68 = arith.constant 0 : i32
      %dma_wait3A_69 = tpu.memref_slice %arg9[%arg0, %mul3A_2, %dma_wait3A_68] : memref<2x10000x144xf32, #tpu.memory_space<hbm>> -> memref<1x624x144xf32, #tpu.memory_space<hbm>>
      %dma_wait3A_70 = tpu.memref_squeeze %dma_wait3A_69 : memref<1x624x144xf32, #tpu.memory_space<hbm>> -> memref<624x144xf32, #tpu.memory_space<hbm>>
      %dma_wait3A_71 = arith.constant 0 : i32
      %dma_wait3A_72 = tpu.memref_slice %arg23[%mul3A_2, %dma_wait3A_71] : memref<10000x144xf32, #tpu.memory_space<vmem_shared>> -> memref<624x144xf32, #tpu.memory_space<vmem_shared>>
      tpu.wait_dma2 semaphore(%run_scoped3A : memref<!tpu.dma_semaphore, #tpu.memory_space<semaphore_mem>>) src(%dma_wait3A_72 : memref<624x144xf32, #tpu.memory_space<vmem_shared>>) dst(%dma_wait3A_70 : memref<624x144xf32, #tpu.memory_space<hbm>>)
      tpu.yield
    }) : () -> ()
    %eq3A_58 = arith.constant 15 : i32
    %eq3A_59 = arith.cmpi eq, %arg1, %eq3A_58 : i32
    %convert_element_type3A_60 = arith.extui %eq3A_59 : i1 to i32
    %cond3A_61 = arith.constant 0 : i32
    %cond3A_62 = arith.cmpi ne, %convert_element_type3A_60, %cond3A_61 : i32
    scf.if %cond3A_62 {
      "tpu.region"() ({
        %run_scoped3A = tpu.sem_alloc : memref<!tpu.dma_semaphore, #tpu.memory_space<semaphore_mem>>
        %dma_start3A_63 = arith.constant 9984 : i32
        %dma_start3A_64 = arith.constant 0 : i32
        %dma_start3A_65 = tpu.memref_slice %arg9[%arg0, %dma_start3A_63, %dma_start3A_64] : memref<2x10000x144xf32, #tpu.memory_space<hbm>> -> memref<1x16x144xf32, #tpu.memory_space<hbm>>
        %dma_start3A_66 = tpu.memref_squeeze %dma_start3A_65 : memref<1x16x144xf32, #tpu.memory_space<hbm>> -> memref<16x144xf32, #tpu.memory_space<hbm>>
        %dma_start3A_67 = arith.constant 9984 : i32
        %dma_start3A_68 = arith.constant 0 : i32
        %dma_start3A_69 = tpu.memref_slice %arg23[%dma_start3A_67, %dma_start3A_68] : memref<10000x144xf32, #tpu.memory_space<vmem_shared>> -> memref<16x144xf32, #tpu.memory_space<vmem_shared>>
        tpu.enqueue_dma source(%dma_start3A_69 : memref<16x144xf32, #tpu.memory_space<vmem_shared>>) target(%dma_start3A_66 : memref<16x144xf32, #tpu.memory_space<hbm>>) target_semaphore(%run_scoped3A : memref<!tpu.dma_semaphore, #tpu.memory_space<semaphore_mem>>)
        %dma_wait3A_70 = arith.constant 9984 : i32
        %dma_wait3A_71 = arith.constant 0 : i32
        %dma_wait3A_72 = tpu.memref_slice %arg9[%arg0, %dma_wait3A_70, %dma_wait3A_71] : memref<2x10000x144xf32, #tpu.memory_space<hbm>> -> memref<1x16x144xf32, #tpu.memory_space<hbm>>
        %dma_wait3A_73 = tpu.memref_squeeze %dma_wait3A_72 : memref<1x16x144xf32, #tpu.memory_space<hbm>> -> memref<16x144xf32, #tpu.memory_space<hbm>>
        %dma_wait3A_74 = arith.constant 9984 : i32
        %dma_wait3A_75 = arith.constant 0 : i32
        %dma_wait3A_76 = tpu.memref_slice %arg23[%dma_wait3A_74, %dma_wait3A_75] : memref<10000x144xf32, #tpu.memory_space<vmem_shared>> -> memref<16x144xf32, #tpu.memory_space<vmem_shared>>
        tpu.wait_dma2 semaphore(%run_scoped3A : memref<!tpu.dma_semaphore, #tpu.memory_space<semaphore_mem>>) src(%dma_wait3A_76 : memref<16x144xf32, #tpu.memory_space<vmem_shared>>) dst(%dma_wait3A_73 : memref<16x144xf32, #tpu.memory_space<hbm>>)
        tpu.yield
      }) : () -> ()
    } else {
    }
    return
  }
}

module attributes {stable_mosaic.version = 14 : i64} {
  func.func @_edge_kernel(%arg0: i32, %arg1: memref<8000x32xf32, #tpu.memory_space<vmem>>, %arg2: memref<128x32xf32, #tpu.memory_space<vmem>>, %arg3: memref<32x32xf32, #tpu.memory_space<vmem>>, %arg4: memref<128x8xf32, #tpu.memory_space<vmem>>, %arg5: memref<8000x144xf32, #tpu.memory_space<vmem>>, %arg6: memref<1x1x128xf32, #tpu.memory_space<vmem>>) attributes {dimension_semantics = [#tpu.dimension_semantics<arbitrary>], iteration_bounds = array<i64: 40>, scalar_prefetch = 0 : i64, scratch_operands = 0 : i64, tpu.core_type = #tpu.core_type<tc>, window_params = [{transform_indices = @transform_0, window_bounds = array<i64: 8000, 32>}, {pipeline_mode = #tpu.pipeline_mode<synchronous>, transform_indices = @transform_1, window_bounds = array<i64: 128, 32>}, {pipeline_mode = #tpu.pipeline_mode<synchronous>, transform_indices = @transform_2, window_bounds = array<i64: 32, 32>}, {pipeline_mode = #tpu.pipeline_mode<synchronous>, transform_indices = @transform_3, window_bounds = array<i64: 128, 8>}, {transform_indices = @transform_4, window_bounds = array<i64: 8000, 144>}, {transform_indices = @transform_5, window_bounds = array<i64: 1, 1, 128>}]} {
    %get3A = arith.constant 0 : index
    %get3A_0 = arith.constant 0 : index
    %get3A_1 = vector.load %arg1[%get3A, %get3A_0] : memref<8000x32xf32, #tpu.memory_space<vmem>>, vector<8000x32xf32>
    %get3A_2 = arith.constant 0 : index
    %get3A_3 = arith.constant 0 : index
    %get3A_4 = vector.load %arg2[%get3A_2, %get3A_3] : memref<128x32xf32, #tpu.memory_space<vmem>>, vector<128x32xf32>
    %get3A_5 = arith.constant 0 : index
    %get3A_6 = arith.constant 0 : index
    %get3A_7 = vector.load %arg3[%get3A_5, %get3A_6] : memref<32x32xf32, #tpu.memory_space<vmem>>, vector<32x32xf32>
    %get3A_8 = arith.constant 0 : index
    %get3A_9 = arith.constant 0 : index
    %get3A_10 = vector.load %arg4[%get3A_8, %get3A_9] : memref<128x8xf32, #tpu.memory_space<vmem>>, vector<128x8xf32>
    %dot_general3A = arith.constant dense<0.000000e+00> : vector<128x32xf32>
    %dot_general3A_11 = tpu.matmul %get3A_4, %get3A_7, %dot_general3A {dimension_numbers = #tpu.dot_dimension_numbers<[1], [0], [0], [1], [0, 0, 1, 1], [], []>, transpose_lhs_hint = false} : vector<128x32xf32>, vector<32x32xf32>, vector<128x32xf32> -> vector<128x32xf32>
    %dot_general3A_12 = arith.constant dense<0.000000e+00> : vector<8000x128xf32>
    %dot_general3A_13 = tpu.matmul %get3A_1, %dot_general3A_11, %dot_general3A_12 {dimension_numbers = #tpu.dot_dimension_numbers<[1], [1], [0], [0], [0, 0, 1, 0], [], []>, transpose_lhs_hint = false} : vector<8000x32xf32>, vector<128x32xf32>, vector<8000x128xf32> -> vector<8000x128xf32>
    %dot_general3A_14 = arith.constant dense<0.000000e+00> : vector<8000x8xf32>
    %dot_general3A_15 = tpu.matmul %dot_general3A_13, %get3A_10, %dot_general3A_14 {dimension_numbers = #tpu.dot_dimension_numbers<[1], [0], [0], [1], [0, 0, 1, 1], [], []>, transpose_lhs_hint = false} : vector<8000x128xf32>, vector<128x8xf32>, vector<8000x8xf32> -> vector<8000x8xf32>
    %concatenate3A = tpu.concatenate %dot_general3A_13, %dot_general3A_15, %dot_general3A_15 in 1 : vector<8000x128xf32>, vector<8000x8xf32>, vector<8000x8xf32> -> vector<8000x144xf32>
    %swap3A = arith.constant 0 : index
    %swap3A_16 = arith.constant 0 : index
    %swap3A_17 = vector.load %arg5[%swap3A, %swap3A_16] : memref<8000x144xf32, #tpu.memory_space<vmem>>, vector<8000x144xf32>
    tpu.vector_store %arg5[%swap3A, %swap3A_16], %concatenate3A {strides = array<i32>} : memref<8000x144xf32, #tpu.memory_space<vmem>>, vector<8000x144xf32>,
    %broadcast_in_dim3A = arith.constant -1.000000e+30 : f32
    %broadcast_in_dim3A_18 = vector.broadcast %broadcast_in_dim3A : f32 to vector<1x120xf32>
    %reduce_max3A = arith.constant dense<0xFF800000> : vector<8xf32>
    %reduce_max3A_19 = vector.multi_reduction <maximumf>, %dot_general3A_15, %reduce_max3A [0] : vector<8000x8xf32> to vector<8xf32>
    %broadcast_in_dim3A_20 = vector.shape_cast %reduce_max3A_19 : vector<8xf32> to vector<1x8xf32>
    %concatenate3A_21 = tpu.concatenate %broadcast_in_dim3A_20, %broadcast_in_dim3A_18 in 1 : vector<1x8xf32>, vector<1x120xf32> -> vector<1x128xf32>
    %reshape3A = vector.shape_cast %concatenate3A_21 : vector<1x128xf32> to vector<1x1x128xf32>
    %swap3A_22 = arith.constant 0 : index
    %swap3A_23 = arith.constant 0 : index
    %swap3A_24 = arith.constant 0 : index
    %swap3A_25 = vector.load %arg6[%swap3A_22, %swap3A_23, %swap3A_24] : memref<1x1x128xf32, #tpu.memory_space<vmem>>, vector<1x1x128xf32>
    tpu.vector_store %arg6[%swap3A_22, %swap3A_23, %swap3A_24], %reshape3A {strides = array<i32>} : memref<1x1x128xf32, #tpu.memory_space<vmem>>, vector<1x1x128xf32>,
    return
  }
  func.func @transform_0(%arg0: i32) -> (i32, i32) {
    %c0_i32 = arith.constant 0 : i32
    %c0_i32_0 = arith.constant 0 : i32
    return %arg0, %c0_i32 : i32, i32
  }
  func.func @transform_1(%arg0: i32) -> (i32, i32) {
    %c0_i32 = arith.constant 0 : i32
    %c0_i32_0 = arith.constant 0 : i32
    %c0_i32_1 = arith.constant 0 : i32
    return %c0_i32, %c0_i32_0 : i32, i32
  }
  func.func @transform_2(%arg0: i32) -> (i32, i32) {
    %c0_i32 = arith.constant 0 : i32
    %c0_i32_0 = arith.constant 0 : i32
    %c0_i32_1 = arith.constant 0 : i32
    return %c0_i32, %c0_i32_0 : i32, i32
  }
  func.func @transform_3(%arg0: i32) -> (i32, i32) {
    %c0_i32 = arith.constant 0 : i32
    %c0_i32_0 = arith.constant 0 : i32
    %c0_i32_1 = arith.constant 0 : i32
    return %c0_i32, %c0_i32_0 : i32, i32
  }
  func.func @transform_4(%arg0: i32) -> (i32, i32) {
    %c0_i32 = arith.constant 0 : i32
    %c0_i32_0 = arith.constant 0 : i32
    return %arg0, %c0_i32 : i32, i32
  }
  func.func @transform_5(%arg0: i32) -> (i32, i32, i32) {
    %c0_i32 = arith.constant 0 : i32
    %c0_i32_0 = arith.constant 0 : i32
    %c0_i32_1 = arith.constant 0 : i32
    return %arg0, %c0_i32, %c0_i32_0 : i32, i32, i32
  }
}

module attributes {stable_mosaic.version = 14 : i64} {
  func.func @_node_kernel(%arg0: i32, %arg1: memref<1000x128xf32, #tpu.memory_space<vmem>>, %arg2: memref<128x288xf32, #tpu.memory_space<vmem>>, %arg3: memref<128x8xf32, #tpu.memory_space<vmem>>, %arg4: memref<1000x144xf32, #tpu.memory_space<vmem>>, %arg5: memref<1000x128xf32, #tpu.memory_space<vmem>>, %arg6: memref<1000x16xf32, #tpu.memory_space<vmem>>, %arg7: memref<1x1x128xf32, #tpu.memory_space<vmem>>) attributes {dimension_semantics = [#tpu.dimension_semantics<arbitrary>], iteration_bounds = array<i64: 10>, scalar_prefetch = 0 : i64, scratch_operands = 0 : i64, tpu.core_type = #tpu.core_type<tc>, window_params = [{transform_indices = @transform_0, window_bounds = array<i64: 1000, 128>}, {pipeline_mode = #tpu.pipeline_mode<synchronous>, transform_indices = @transform_1, window_bounds = array<i64: 128, 288>}, {pipeline_mode = #tpu.pipeline_mode<synchronous>, transform_indices = @transform_2, window_bounds = array<i64: 128, 8>}, {transform_indices = @transform_3, window_bounds = array<i64: 1000, 144>}, {transform_indices = @transform_4, window_bounds = array<i64: 1000, 128>}, {transform_indices = @transform_5, window_bounds = array<i64: 1000, 16>}, {transform_indices = @transform_6, window_bounds = array<i64: 1, 1, 128>}]} {
    %get3A = arith.constant 0 : index
    %get3A_0 = arith.constant 0 : index
    %get3A_1 = vector.load %arg1[%get3A, %get3A_0] : memref<1000x128xf32, #tpu.memory_space<vmem>>, vector<1000x128xf32>
    %get3A_2 = arith.constant 0 : index
    %get3A_3 = arith.constant 0 : index
    %get3A_4 = vector.load %arg2[%get3A_2, %get3A_3] : memref<128x288xf32, #tpu.memory_space<vmem>>, vector<128x288xf32>
    %get3A_5 = arith.constant 0 : index
    %get3A_6 = arith.constant 0 : index
    %get3A_7 = vector.load %arg3[%get3A_5, %get3A_6] : memref<128x8xf32, #tpu.memory_space<vmem>>, vector<128x8xf32>
    %slice3A = vector.extract_strided_slice %get3A_4 {offsets = [0, 0], sizes = [128, 128], strides = [1, 1]} : vector<128x288xf32> to vector<128x128xf32>
    %slice3A_8 = vector.extract_strided_slice %get3A_4 {offsets = [0, 128], sizes = [128, 128], strides = [1, 1]} : vector<128x288xf32> to vector<128x128xf32>
    %dot_general3A = arith.constant dense<0.000000e+00> : vector<1000x128xf32>
    %dot_general3A_9 = tpu.matmul %get3A_1, %slice3A, %dot_general3A {dimension_numbers = #tpu.dot_dimension_numbers<[1], [1], [0], [0], [0, 0, 1, 0], [], []>, transpose_lhs_hint = false} : vector<1000x128xf32>, vector<128x128xf32>, vector<1000x128xf32> -> vector<1000x128xf32>
    %dot_general3A_10 = arith.constant dense<0.000000e+00> : vector<1000x128xf32>
    %dot_general3A_11 = tpu.matmul %get3A_1, %slice3A_8, %dot_general3A_10 {dimension_numbers = #tpu.dot_dimension_numbers<[1], [1], [0], [0], [0, 0, 1, 0], [], []>, transpose_lhs_hint = false} : vector<1000x128xf32>, vector<128x128xf32>, vector<1000x128xf32> -> vector<1000x128xf32>
    %dot_general3A_12 = arith.constant dense<0.000000e+00> : vector<1000x8xf32>
    %dot_general3A_13 = tpu.matmul %dot_general3A_9, %get3A_7, %dot_general3A_12 {dimension_numbers = #tpu.dot_dimension_numbers<[1], [0], [0], [1], [0, 0, 1, 1], [], []>, transpose_lhs_hint = false} : vector<1000x128xf32>, vector<128x8xf32>, vector<1000x8xf32> -> vector<1000x8xf32>
    %dot_general3A_14 = arith.constant dense<0.000000e+00> : vector<1000x8xf32>
    %dot_general3A_15 = tpu.matmul %dot_general3A_11, %get3A_7, %dot_general3A_14 {dimension_numbers = #tpu.dot_dimension_numbers<[1], [0], [0], [1], [0, 0, 1, 1], [], []>, transpose_lhs_hint = false} : vector<1000x128xf32>, vector<128x8xf32>, vector<1000x8xf32> -> vector<1000x8xf32>
    %concatenate3A = tpu.concatenate %dot_general3A_9, %dot_general3A_13, %dot_general3A_13 in 1 : vector<1000x128xf32>, vector<1000x8xf32>, vector<1000x8xf32> -> vector<1000x144xf32>
    %swap3A = arith.constant 0 : index
    %swap3A_16 = arith.constant 0 : index
    %swap3A_17 = vector.load %arg4[%swap3A, %swap3A_16] : memref<1000x144xf32, #tpu.memory_space<vmem>>, vector<1000x144xf32>
    tpu.vector_store %arg4[%swap3A, %swap3A_16], %concatenate3A {strides = array<i32>} : memref<1000x144xf32, #tpu.memory_space<vmem>>, vector<1000x144xf32>,
    %swap3A_18 = arith.constant 0 : index
    %swap3A_19 = arith.constant 0 : index
    %swap3A_20 = vector.load %arg5[%swap3A_18, %swap3A_19] : memref<1000x128xf32, #tpu.memory_space<vmem>>, vector<1000x128xf32>
    tpu.vector_store %arg5[%swap3A_18, %swap3A_19], %dot_general3A_11 {strides = array<i32>} : memref<1000x128xf32, #tpu.memory_space<vmem>>, vector<1000x128xf32>,
    %concatenate3A_21 = tpu.concatenate %dot_general3A_15, %dot_general3A_15 in 1 : vector<1000x8xf32>, vector<1000x8xf32> -> vector<1000x16xf32>
    %swap3A_22 = arith.constant 0 : index
    %swap3A_23 = arith.constant 0 : index
    %swap3A_24 = vector.load %arg6[%swap3A_22, %swap3A_23] : memref<1000x16xf32, #tpu.memory_space<vmem>>, vector<1000x16xf32>
    tpu.vector_store %arg6[%swap3A_22, %swap3A_23], %concatenate3A_21 {strides = array<i32>} : memref<1000x16xf32, #tpu.memory_space<vmem>>, vector<1000x16xf32>,
    %broadcast_in_dim3A = arith.constant -1.000000e+30 : f32
    %broadcast_in_dim3A_25 = vector.broadcast %broadcast_in_dim3A : f32 to vector<1x112xf32>
    %reduce_max3A = arith.constant dense<0xFF800000> : vector<8xf32>
    %reduce_max3A_26 = vector.multi_reduction <maximumf>, %dot_general3A_13, %reduce_max3A [0] : vector<1000x8xf32> to vector<8xf32>
    %broadcast_in_dim3A_27 = vector.shape_cast %reduce_max3A_26 : vector<8xf32> to vector<1x8xf32>
    %reduce_max3A_28 = arith.constant dense<0xFF800000> : vector<8xf32>
    %reduce_max3A_29 = vector.multi_reduction <maximumf>, %dot_general3A_15, %reduce_max3A_28 [0] : vector<1000x8xf32> to vector<8xf32>
    %broadcast_in_dim3A_30 = vector.shape_cast %reduce_max3A_29 : vector<8xf32> to vector<1x8xf32>
    %concatenate3A_31 = tpu.concatenate %broadcast_in_dim3A_27, %broadcast_in_dim3A_30, %broadcast_in_dim3A_25 in 1 : vector<1x8xf32>, vector<1x8xf32>, vector<1x112xf32> -> vector<1x128xf32>
    %reshape3A = vector.shape_cast %concatenate3A_31 : vector<1x128xf32> to vector<1x1x128xf32>
    %swap3A_32 = arith.constant 0 : index
    %swap3A_33 = arith.constant 0 : index
    %swap3A_34 = arith.constant 0 : index
    %swap3A_35 = vector.load %arg7[%swap3A_32, %swap3A_33, %swap3A_34] : memref<1x1x128xf32, #tpu.memory_space<vmem>>, vector<1x1x128xf32>
    tpu.vector_store %arg7[%swap3A_32, %swap3A_33, %swap3A_34], %reshape3A {strides = array<i32>} : memref<1x1x128xf32, #tpu.memory_space<vmem>>, vector<1x1x128xf32>,
    return
  }
  func.func @transform_0(%arg0: i32) -> (i32, i32) {
    %c0_i32 = arith.constant 0 : i32
    %c0_i32_0 = arith.constant 0 : i32
    return %arg0, %c0_i32 : i32, i32
  }
  func.func @transform_1(%arg0: i32) -> (i32, i32) {
    %c0_i32 = arith.constant 0 : i32
    %c0_i32_0 = arith.constant 0 : i32
    %c0_i32_1 = arith.constant 0 : i32
    return %c0_i32, %c0_i32_0 : i32, i32
  }
  func.func @transform_2(%arg0: i32) -> (i32, i32) {
    %c0_i32 = arith.constant 0 : i32
    %c0_i32_0 = arith.constant 0 : i32
    %c0_i32_1 = arith.constant 0 : i32
    return %c0_i32, %c0_i32_0 : i32, i32
  }
  func.func @transform_3(%arg0: i32) -> (i32, i32) {
    %c0_i32 = arith.constant 0 : i32
    %c0_i32_0 = arith.constant 0 : i32
    return %arg0, %c0_i32 : i32, i32
  }
  func.func @transform_4(%arg0: i32) -> (i32, i32) {
    %c0_i32 = arith.constant 0 : i32
    %c0_i32_0 = arith.constant 0 : i32
    return %arg0, %c0_i32 : i32, i32
  }
  func.func @transform_5(%arg0: i32) -> (i32, i32) {
    %c0_i32 = arith.constant 0 : i32
    %c0_i32_0 = arith.constant 0 : i32
    return %arg0, %c0_i32 : i32, i32
  }
  func.func @transform_6(%arg0: i32) -> (i32, i32, i32) {
    %c0_i32 = arith.constant 0 : i32
    %c0_i32_0 = arith.constant 0 : i32
    %c0_i32_1 = arith.constant 0 : i32
    return %arg0, %c0_i32, %c0_i32_0 : i32, i32, i32
  }
}

module attributes {stable_mosaic.version = 14 : i64} {
  func.func @_combine_kernel(%arg0: i32, %arg1: memref<2x1000x144xf32, #tpu.memory_space<vmem>>, %arg2: memref<1000x128xf32, #tpu.memory_space<vmem>>, %arg3: memref<8x128xf32, #tpu.memory_space<vmem>>, %arg4: memref<1000x128xf32, #tpu.memory_space<vmem>>) attributes {dimension_semantics = [#tpu.dimension_semantics<arbitrary>], iteration_bounds = array<i64: 10>, scalar_prefetch = 0 : i64, scratch_operands = 0 : i64, tpu.core_type = #tpu.core_type<tc>, window_params = [{transform_indices = @transform_0, window_bounds = array<i64: 2, 1000, 144>}, {transform_indices = @transform_1, window_bounds = array<i64: 1000, 128>}, {pipeline_mode = #tpu.pipeline_mode<synchronous>, transform_indices = @transform_2, window_bounds = array<i64: 8, 128>}, {transform_indices = @transform_3, window_bounds = array<i64: 1000, 128>}]} {
    %get3A = arith.constant 0 : index
    %get3A_0 = arith.constant 0 : index
    %get3A_1 = arith.constant 0 : index
    %get3A_2 = vector.load %arg1[%get3A, %get3A_0, %get3A_1] : memref<2x1000x144xf32, #tpu.memory_space<vmem>>, vector<1x1000x144xf32>
    %get3A_3 = vector.shape_cast %get3A_2 : vector<1x1000x144xf32> to vector<1000x144xf32>
    %get3A_4 = arith.constant 1 : index
    %get3A_5 = arith.constant 0 : index
    %get3A_6 = arith.constant 0 : index
    %get3A_7 = vector.load %arg1[%get3A_4, %get3A_5, %get3A_6] : memref<2x1000x144xf32, #tpu.memory_space<vmem>>, vector<1x1000x144xf32>
    %get3A_8 = vector.shape_cast %get3A_7 : vector<1x1000x144xf32> to vector<1000x144xf32>
    %add3A = arith.addf %get3A_3, %get3A_8 : vector<1000x144xf32>
    %slice3A = vector.extract_strided_slice %add3A {offsets = [0, 0], sizes = [1000, 128], strides = [1, 1]} : vector<1000x144xf32> to vector<1000x128xf32>
    %slice3A_9 = vector.extract_strided_slice %add3A {offsets = [0, 128], sizes = [1000, 8], strides = [1, 1]} : vector<1000x144xf32> to vector<1000x8xf32>
    %broadcast_in_dim3A = vector.shape_cast %slice3A_9 : vector<1000x8xf32> to vector<1000x8x1xf32>
    %broadcast_in_dim3A_10 = vector.broadcast %broadcast_in_dim3A : vector<1000x8x1xf32> to vector<1000x8x16xf32>
    %reshape3A = vector.shape_cast %broadcast_in_dim3A_10 : vector<1000x8x16xf32> to vector<1000x128xf32>
    %get3A_11 = arith.constant 0 : index
    %get3A_12 = arith.constant 0 : index
    %get3A_13 = vector.load %arg2[%get3A_11, %get3A_12] : memref<1000x128xf32, #tpu.memory_space<vmem>>, vector<1000x128xf32>
    %mul3A = arith.mulf %reshape3A, %get3A_13 : vector<1000x128xf32>
    %add3A_14 = arith.addf %slice3A, %mul3A : vector<1000x128xf32>
    %add3A_15 = arith.constant 1.000000e-16 : f32
    %add3A_16 = vector.broadcast %add3A_15 : f32 to vector<1000x128xf32>
    %add3A_17 = arith.addf %reshape3A, %add3A_16 : vector<1000x128xf32>
    %div3A = arith.divf %add3A_14, %add3A_17 : vector<1000x128xf32>
    %get3A_18 = arith.constant 0 : index
    %get3A_19 = arith.constant 0 : index
    %get3A_20 = vector.load %arg3[%get3A_18, %get3A_19] : memref<8x128xf32, #tpu.memory_space<vmem>>, vector<1x128xf32>
    %get3A_21 = vector.shape_cast %get3A_20 : vector<1x128xf32> to vector<128xf32>
    %broadcast_in_dim3A_22 = vector.shape_cast %get3A_21 : vector<128xf32> to vector<1x128xf32>
    %add3A_23 = vector.broadcast %broadcast_in_dim3A_22 : vector<1x128xf32> to vector<1000x128xf32>
    %add3A_24 = arith.addf %div3A, %add3A_23 : vector<1000x128xf32>
    %swap3A = arith.constant 0 : index
    %swap3A_25 = arith.constant 0 : index
    %swap3A_26 = vector.load %arg4[%swap3A, %swap3A_25] : memref<1000x128xf32, #tpu.memory_space<vmem>>, vector<1000x128xf32>
    tpu.vector_store %arg4[%swap3A, %swap3A_25], %add3A_24 {strides = array<i32>} : memref<1000x128xf32, #tpu.memory_space<vmem>>, vector<1000x128xf32>,
    return
  }
  func.func @transform_0(%arg0: i32) -> (i32, i32, i32) {
    %c0_i32 = arith.constant 0 : i32
    %c0_i32_0 = arith.constant 0 : i32
    %c0_i32_1 = arith.constant 0 : i32
    return %c0_i32, %arg0, %c0_i32_0 : i32, i32, i32
  }
  func.func @transform_1(%arg0: i32) -> (i32, i32) {
    %c0_i32 = arith.constant 0 : i32
    %c0_i32_0 = arith.constant 0 : i32
    return %arg0, %c0_i32 : i32, i32
  }
  func.func @transform_2(%arg0: i32) -> (i32, i32) {
    %c0_i32 = arith.constant 0 : i32
    %c0_i32_0 = arith.constant 0 : i32
    %c0_i32_1 = arith.constant 0 : i32
    return %c0_i32, %c0_i32_0 : i32, i32
  }
  func.func @transform_3(%arg0: i32) -> (i32, i32) {
    %c0_i32 = arith.constant 0 : i32
    %c0_i32_0 = arith.constant 0 : i32
    return %arg0, %c0_i32 : i32, i32
  }
}

</mosaic_0001>

<sc_bundles>
// kernel: kernel.6.cloned.1.call-start
scs
__scs_entry_jumppad:
0x0: {  	(pc) =	sbr.rel $0x88, $3  }
0x1: {  	(tag) =	ssettag $0x0;
	lr =	simm.s32 $0x1  }
0x2: {  	[smem:$0x3F9A] =	sst lr;
	_ =	strace $0xD0000000  }
0x3: {  	_ = 	snop  }
0x4: {  	_ = 	snop  }
0x5: {  	_ = 	snop  }
0x6: {  	_ = 	snop  }
0x7: {  	_ = 	snop  }
__scs_overlays_trampoline_lowered:
0x8: {  	[smem:$0x3FA9] =	sst s0  }
0x9: {  	[smem:$0x3FAA] =	sst s1  }
0xa: {  	[smem:$0x3FAB] =	sst s2  }
0xb: {  	[smem:$0x3FAC] =	sst s3  }
0xc: {  	[smem:$0x3FAD] =	sst s4  }
0xd: {  	[smem:$0x3FAE] =	sst s5  }
0xe: {  	[smem:$0x3FAF] =	sst s6  }
0xf: {  	[smem:$0x3FB0] =	sst s7  }
0x10: {  	[smem:$0x3FB1] =	sst s8  }
0x11: {  	[smem:$0x3FB2] =	sst s9;
	s0 =	simm.s32 @!p0 $0x0  }
0x12: {  	s1 =	sld [smem:$0x3F98];
	s0 =	simm.s32 @p0 $0x1  }
0x13: {  	[smem:$0x3FB3] =	sst s0;
	s0 =	simm.s32 @!p1 $0x0  }
0x14: {  	s2 =	sld [smem:$0x3F97];
	s0 =	simm.s32 @p1 $0x1  }
0x15: {  	[smem:$0x3FB4] =	sst s0;
	s0 =	simm.s32 @!p2 $0x0  }
0x16: {  	s3 =	sld [smem:$0x3FDB];
	s0 =	simm.s32 @p2 $0x1  }
0x17: {  	s4 =	simm.s32 $0x1BF5;
	[smem:$0x3FB6] =	sst s0  }
0x18: {  	s0 =	sld [smem:$0x3F99];
	_ =	swait.ge [sflag:s4], $0x0  }
0x19: {  	s7 =	sld [smem:$0x3F9A]  }
0x1a: {  	s8 =	sadd.s32 $0xFFFFE003, lr  }
0x1b: {  	s9 =	sadd.s32 $0xFFFFFEF7, lr;
	s5 =	simm.s32 $0xFFFFFFFF;
	p2 =	slt.u32 s8, $0xFFFFF086  }
0x1c: {  	p1 =	slt.u32 s9, $0xF7A;
	s5 =	simm.s32 @!p2 $0x0  }
0x1d: {  	s5 =	simm.s32 @p1 $0x1;
	p0 =	seq.s32 s7, s2  }
0x1e: {  	s7 =	smul.u32 @!p0 $0xF7A, s2;
	p2 =	seq.s32 @!p0 s5, $0x0  }
0x1f: {  	s9 =	smul.u32 $0xF7A, s1;
	s8 =	simm.s32 @!p0 $0x1BF5;
	p2 =	por !p2, p0  }
0x20: {  	[sflag:s8] =	ssyncset.s32 @!p0 $0xFFFFF086;
	s6 =	sadd.s32 @!p0 s3, s7;
	s7 =	simm.s32 @!p0 $0x108  }
0x21: {  	s3 =	sadd.s32 s3, s9;
	s6 =	sadd.s32 @!p0 $0x88, s6;
	s7 =	simm.s32 @p2 $0x1082  }
0x22: {  	[simem:s7], [sflag:s8] =	dma.local @!p0 [hbm:s6], $0xF7A  }
0x23: {  	s9 =	sor.u32 $0xD0000000, s2;
	s6 =	simm.s32 $0x108;
	_ =	swait.ge @!p0 [sflag:s8], $0x0  }
0x24: {  	s3 =	sadd.s32 $0x88, s3;
	s6 =	simm.s32 @!p1 $0x1082;
	[sflag:s4] =	ssyncset.s32 $0xFFFFF086  }
0x25: {  	[simem:s6], [sflag:s4] =	dma.local [hbm:s3], $0xF7A  }
0x26: {  	[smem:$0x3F9A] =	sst s1;
	(tag) =	ssettag s2;
	_ =	strace s9  }
0x27: {  	s1 =	sld [smem:$0x3FAA]  }
0x28: {  	s2 =	sld [smem:$0x3FAB]  }
0x29: {  	s4 =	sld [smem:$0x3FAD]  }
0x2a: {  	p0 =	seq.s32 s5, $0x0;
	s5 =	sld [smem:$0x3FAE]  }
0x2b: {  	s6 =	sld [smem:$0x3FAF]  }
0x2c: {  	s7 =	sld [smem:$0x3FB0]  }
0x2d: {  	s3 =	simm.s32 $0x108;
	s8 =	sld [smem:$0x3FB1]  }
0x2e: {  	s3 =	simm.s32 @!p0 $0x1082;
	s9 =	sld [smem:$0x3FB2]  }
0x2f: {  	lr =	sadd.s32 s0, s3;
	s0 =	sld [smem:$0x3FA9]  }
0x30: {  	s3 =	sld [smem:$0x3FAC]  }
0x31: {  	[smem:$0x3FB5] =	sst s10  }
0x32: {  	s10 =	sld [smem:$0x3FB3];
	_ =	sdelay $0x3  }
0x33: {  	p0 =	seq.s32 s10, $0x1;
	s10 =	sld [smem:$0x3FB5];
	_ =	sdelay $0x3  }
0x34: {  	[smem:$0x3FB5] =	sst s10  }
0x35: {  	s10 =	sld [smem:$0x3FB4];
	_ =	sdelay $0x3  }
0x36: {  	p1 =	seq.s32 s10, $0x1;
	s10 =	sld [smem:$0x3FB5];
	_ =	sdelay $0x3  }
0x37: {  	[smem:$0x3FB5] =	sst s10  }
0x38: {  	s10 =	sld [smem:$0x3FB6]  }
0x39: {  	_ = 	snop;
	(pc) =	sbr.ind lr, $3  }
0x3a: {  	_ = 	snop  }
0x3b: {  	_ = 	snop  }
0x3c: {  	p2 =	seq.s32 s10, $0x1;
	s10 =	sld [smem:$0x3FB5]  }
0x3d: {  	_ =	shalt  }
0x3e: {  	_ =	shalt  }
0x3f: {  	_ =	shalt  }
0x40: {  	_ =	shalt  }
0x41: {  	_ =	shalt  }
0x42: {  	_ =	shalt  }
0x43: {  	_ =	shalt  }
0x44: {  	_ =	shalt  }
0x45: {  	_ =	shalt  }
0x46: {  	_ =	shalt  }
0x47: {  	_ =	shalt  }
0x48: {  	_ =	shalt  }
0x49: {  	_ =	shalt  }
0x4a: {  	_ =	shalt  }
0x4b: {  	_ =	shalt  }
0x4c: {  	_ =	shalt  }
0x4d: {  	_ =	shalt  }
0x4e: {  	_ =	shalt  }
0x4f: {  	_ =	shalt  }
0x50: {  	_ =	shalt  }
0x51: {  	_ =	shalt  }
0x52: {  	_ =	shalt  }
0x53: {  	_ =	shalt  }
0x54: {  	_ =	shalt  }
0x55: {  	_ =	shalt  }
0x56: {  	_ =	shalt  }
0x57: {  	_ =	shalt  }
0x58: {  	_ =	shalt  }
0x59: {  	_ =	shalt  }
0x5a: {  	_ =	shalt  }
0x5b: {  	_ =	shalt  }
0x5c: {  	_ =	shalt  }
0x5d: {  	_ =	shalt  }
0x5e: {  	_ =	shalt  }
0x5f: {  	_ =	shalt  }
0x60: {  	_ =	shalt  }
0x61: {  	_ =	shalt  }
0x62: {  	_ =	shalt  }
0x63: {  	_ =	shalt  }
0x64: {  	_ =	shalt  }
0x65: {  	_ =	shalt  }
0x66: {  	_ =	shalt  }
0x67: {  	_ =	shalt  }
0x68: {  	_ =	shalt  }
0x69: {  	_ =	shalt  }
0x6a: {  	_ =	shalt  }
0x6b: {  	_ =	shalt  }
0x6c: {  	_ =	shalt  }
0x6d: {  	_ =	shalt  }
0x6e: {  	_ =	shalt  }
0x6f: {  	_ =	shalt  }
0x70: {  	_ =	shalt  }
0x71: {  	_ =	shalt  }
0x72: {  	_ =	shalt  }
0x73: {  	_ =	shalt  }
0x74: {  	_ =	shalt  }
0x75: {  	_ =	shalt  }
0x76: {  	_ =	shalt  }
0x77: {  	_ =	shalt  }
0x78: {  	_ =	shalt  }
0x79: {  	_ =	shalt  }
0x7a: {  	_ =	shalt  }
0x7b: {  	_ =	shalt  }
0x7c: {  	_ =	shalt  }
0x7d: {  	_ =	shalt  }
0x7e: {  	_ =	shalt  }
0x7f: {  	_ =	shalt  }
0x80: {  	_ =	shalt  }
0x81: {  	_ =	shalt  }
0x82: {  	_ =	shalt  }
0x83: {  	_ =	shalt  }
0x84: {  	_ =	shalt  }
0x85: {  	_ =	shalt  }
0x86: {  	_ =	shalt  }
0x87: {  	_ =	shalt  }
.Lfunc_end0:
.L_simem_size_0:
called_computation_lowered:
.L_overlay_start_0:
0x88: {  	s2 =	sld [smem:$0x3FD9]  }
0x89: {  	s3 =	sld [smem:$0x3FFE];
	_ =	sdelay $0x1  }
0x8a: {  	s1 =	srdreg.scid  }
0x8b: {  	s0 =	sand.u32 $0x1, s1  }
0x8c: {  	s16 =	sshll.u32 s0, $0xA;
	s2 =	sadd.s32 s3, s2  }
0x8d: {  	s2 =	sadd.s32 s2, s16  }
0x8e: {  	[smem:$0x3FC1] =	sst s2  }
0x8f: {  	_ = 	snop  }
0x90: {  	(tm) =	ssettm $0x1  }
0x91: {  	s17 =	sld [smem:$0x3FFB];
	_ =	sdelay $0x3  }
0x92: {  	_ =	strace s17  }
0x93: {  	s2 =	sld [smem:$0x3FFC];
	_ =	sdelay $0x3  }
0x94: {  	_ =	strace s2  }
0x95: {  	s2 =	sld [smem:$0x3FFD];
	_ =	sdelay $0x3  }
0x96: {  	_ =	strace s2  }
0x97: {  	_ =	strace $0x8FFFFFFF  }
0x98: {  	s18 =	sld [smem:$0x3FDB];
	_ =	sdelay $0x1  }
0x99: {  	s19 =	simm.s32 $_scs_section_size  }
0x9a: {  	s4 =	simm.s32 $_size__tile_overlayer_lowered;
	s5 =	simm.s32 $_tile_overlayer_lowered  }
0x9b: {  	s22 =	simm.s32 $0x1BFF;
	s21 =	sshll.u32 s5, $0x1;
	s2 =	sadd.s32 s19, s18  }
0x9c: {  	s6 =	simm.s32 $0x0;
	s20 =	sshll.u32 s4, $0x1;
	s4 =	sadd.s32 s21, s2  }
0x9d: {  	[timem:s6], [sflag:s22] =	dma.local [hbm:s4], s20  }
0x9e: {  	_ =	swait.ge [sflag:s22], s20  }
0x9f: {  	s3 =	ssub.s32 $0x0, s20;
	[sflag:s22] =	ssyncset.done $0x0  }
0xa0: {  	[sflag:s22] =	ssyncadd.s32 s3;
	_ =	sdelay $0x1  }
0xa1: {  	s23 =	simm.s32 $0x1B8B  }
0xa2: {  	_ =	swait.ge [sflag:s23], $0x1  }
0xa3: {  	[sflag:s23] =	ssyncset.done $0x0  }
0xa4: {  	s25 =	simm.s32 $0x1B8E;
	s24 =	sld [smem:$0x3FFE];
	[sflag:s23] =	ssyncadd.s32 $0xFFFFFFFF  }
0xa5: {  	s26 =	simm.s32 $execute0_lowered;
	[smem:$0x3FD2] =	sst s25  }
0xa6: {  	s4 =	sshll.u32 s26, $0x1;
	_ =	strace $0x80000046;
	[dreg:$0x1] =	wrdreg $0xFFFFFFFF  }
0xa7: {  	s28 =	simm.s32 $_size_execute0_lowered;
	s2 =	sadd.s32 s2, s4;
	[dreg:$0x0] =	wrdreg $0x0  }
0xa8: {  	s4 =	sshll.u32 s28, $0x1;
	[dreg:$0x2] =	wrdreg s2  }
0xa9: {  	[dreg:$0x3] =	wrdreg s4  }
0xaa: {  	[dreg:$0x4] =	wrdreg $0xC0  }
0xab: {  	_ =	task [dreg:s6], $0x5FFFF  }
0xac: {  	[dreg:$0x1] =	wrdreg $0xFFFFFFFF  }
0xad: {  	[dreg:$0x0] =	wrdreg $0x60  }
0xae: {  	[dreg:$0x2] =	wrdreg s24  }
0xaf: {  	[dreg:$0x3] =	wrdreg $0x8CB00  }
0xb0: {  	[dreg:$0x4] =	wrdreg $0x9  }
0xb1: {  	_ =	task.clear_ibuf [dreg:s6], $0x5FFFF;
	_ =	strace $0x90000046  }
0xb2: {  	s29 =	simm.s32 $0x9;
	_ =	strace $0x80000048  }
0xb3: {  	_ =	swait.ge [sflag:s29], $0x1  }
0xb4: {  	[sflag:s29] =	ssyncadd.s32 $0xFFFFFFFF  }
0xb5: {  	_ =	strace $0x90000048  }
0xb6: {  	_ =	sfence  }
0xb7: {  	s30 =	sld [smem:$0x0];
	_ =	sdelay $0x2  }
0xb8: {  	s31 =	sshll.u32 s1, $0xD;
	s1 =	sshrl.u32 s1, $0x2  }
0xb9: {  	s3 =	sand.u32 $0x4000, s31;
	s1 =	sadd.s32 s1, s30  }
0xba: {  	s0 =	sor.u32 s3, s0;
	s1 =	sshll.u32 s1, $0x11  }
0xbb: {  	s0 =	sor.u32 s1, s0  }
0xbc: {  	s0 =	sadd.s32 $0x8F2B, s0  }
0xbd: {  	[sflag:s0] =	ssyncadd.remote.s32 $0x1  }
0xbe: {  	_ =	sfence.sel $0xFFFF  }
0xbf: {  	[dreg:$0x0] =	wrdreg $0xFFFFFFFF;
	(pc) =	sbr.abs _section_cstart, $3  }
0xc0: {  	[dreg:$0x1] =	wrdreg $0xFFFFFFFF  }
0xc1: {  	_ =	task.clear_ibuf [dreg:s6], $0x2FFFF;
	_ =	strace $0x9FFFFFFF  }
0xc2: {  	(tm) =	ssettm $0x7FFFFFFF  }
0xc3: {  	_ =	shalt  }
tec
execute0_lowered:
.L_overlay_start_1:
0x0: {  	(tag) =	ssettag $0x1  }
0x1: {  	s15 =	rddreg [dreg:$0x0]  }
0x2: {  	s2 =	rddreg [dreg:$0x1];
	s4 =	simm.s32 $0x0;
	s16 =	stileid.u32  }
0x3: {  	s1 =	srdreg.scid;
	s28 =	simm.s32 $0x5;
	s30 =	simm.s32 $0x50  }
0x4: {  	s29 =	simm.s32 $0x4920;
	s31 =	simm.s32 $0x1;
	[smem:$0x7FF] =	sst s4  }
0x5: {  	s5 =	sadd.s32 $0x3B000, s15;
	s6 =	sadd.s32 $0x31200, s15;
	s0 =	smul.u32 $0x15F00, s16  }
0x6: {  	s7 =	sadd.s32 $0x200, s15;
	s8 =	sadd.s32 $0x2C200, s15;
	s9 =	sadd.s32 $0xEF4200, s15  }
0x7: {  	s1 =	sand.u32 $0x1, s1;
	s12 =	sadd.s32 $0x70E00, s15;
	s14 =	smul.u32 $0x28, s16  }
0x8: {  	s26 =	sshll.u32 s16, $0x6;
	s18 =	sadd.s32 $0x15F000, s2;
	p0 =	sne.s32 s16, $0xF  }
0x9: {  	_ =	strace $0x80000047;
	s11 =	ssub.s32 $0x2, s1;
	s10 =	smul.u32 $0x27100, s1  }
0xa: {  	[dreg:$0x5] =	wrdreg s18;
	s1 =	smul.u32 $0x15F900, s1;
	s3 =	sshrl.u32 s0, $0x3  }
0xb: {  	s13 =	sshrl.u32 s11, $0x1;
	s25 =	sadd.s32 s0, s2;
	s3 =	sadd.s32 s3, s15  }
0xc: {  	s11 =	ssub.s32 s11, s13;
	[dreg:$0x3] =	wrdreg s25;
	s13 =	sor.u32 $0x1C05, s26  }
0xd: {  	s17 =	sadd.s32 s14, s10;
	s15 =	sadd.s32 $0x70C00, s15;
	s0 =	sadd.s32 s0, s1  }
0xe: {  	s1 =	sshrl.u32 s1, $0x3;
	s3 =	sadd.s32 $0x44E00, s3;
	s19 =	sshrl.u32 s17, $0x3  }
0xf: {  	[dreg:$0x6] =	wrdreg s15;
	s0 =	sshrl.u32 s0, $0x3;
	s25 =	sadd.s32 s12, s1  }
0x10: {  	s26 =	smax.u32 s11, $0x1;
	s1 =	simm.s32 $0x3;
	s11 =	simm.s32 $0x2  }
0x11: {  	s15 =	simm.s32 $0x5FA0;
	[dreg:$0x4] =	wrdreg s3;
	s3 =	smul.u32 $0x12, s17  }
0x12: {  	s20 =	sadd.s32 s5, s19;
	s21 =	sadd.s32 s6, s19;
	[dreg:$0xf] =	wrdreg s26  }
0x13: {  	s23 =	sadd.s32 $0x50, s19;
	s0 =	sadd.s32 s12, s0;
	[dreg:$0x7] =	wrdreg s20  }
0x14: {  	s26 =	sor.u32 $0x30, s16;
	s12 =	simm.s32 $0x1C20;
	[dreg:$0x8] =	wrdreg s21  }
0x15: {  	s17 =	simm.s32 $0x0;
	s14 =	sadd.s32 s5, s23;
	[dreg:$0xd] =	wrdreg s0  }
.Ltmp0:
0x16: {  	s0 =	sadd.s32 $0x2BE00, s25;
	[dreg:$0xa] =	wrdreg s14;
	(pc) =	sbr.rel .LBB2_1-.Ltmp0, $4  }
0x17: {  	s22 =	sadd.s32 s9, s3;
	s3 =	sadd.s32 s6, s23;
	[dreg:$0xe] =	wrdreg s0  }
0x18: {  	s23 =	sor.u32 $0x20, s16;
	s0 =	simm.s32 $0x28;
	[dreg:$0xb] =	wrdreg s3  }
0x19: {  	s14 =	simm.s32 $0x320;
	[dreg:$0x9] =	wrdreg s22;
	s24 =	sadd.s32 $0x2D00, s22  }
0x1a: {  	s16 =	simm.s32 $0x7620;
	s3 =	simm.s32 $0x78;
	[dreg:$0xc] =	wrdreg s24  }
.LBB2_8:
0x1b: {  	[bflag:$0x0] =	sbarrier.arrive $0xFFFF  }
0x1c: {  	s18 =	rddreg [dreg:$0xd]  }
0x1d: {  	[hbm:s18], [sflag:s13] =	dma.local [spmem:s19], $0x2BE0  }
0x1e: {  	_ =	swait.ge [sflag:s28], $0x2BE0  }
0x1f: {  	[sflag:s28] =	ssyncset.done $0x0  }
0x20: {  	s18 =	rddreg [dreg:$0xe];
	[sflag:s28] =	ssyncadd.s32 $0xFFFFD420  }
0x21: {  	[hbm:s18], [sflag:s13] =	dma.local @!p0 [spmem:s20], $0x120  }
0x22: {  	s18 =	simm.s32 @!p0 $0x5  }
0x23: {  	_ =	swait.ge @!p0 [sflag:s18], $0x120  }
0x24: {  	s17 =	sadd.s32 $0x1, s17;
	s25 =	rddreg [dreg:$0xf]  }
0x25: {  	p1 =	sne.s32 s17, s25  }
.Ltmp1:
0x26: {  	_ = 	snop;
	(pc) =	sbr.rel @!p1 .LBB2_9-.Ltmp1, $3  }
0x27: {  	_ =	sdelay $0x1  }
0x28: {  	[sflag:s18] =	ssyncset.done @!p0 $0x0  }
0x29: {  	[sflag:s18] =	ssyncadd.s32 @!p0 $0xFFFFFEE0  }
.LBB2_1:
0x2a: {  	s18 =	rddreg [dreg:$0x3]  }
0x2b: {  	s21 =	rddreg [dreg:$0x4];
	s19 =	sshrl.u32 s18, $0x3  }
0x2c: {  	[spmem:s19], [sflag:s13] =	dma.local [hbm:s21], $0x2BE0  }
0x2d: {  	_ =	swait.ge [sflag:s28], $0x2BE0  }
0x2e: {  	s21 =	simm.s32 @!p0 $0x5;
	[sflag:s28] =	ssyncset.done $0x0;
	s18 =	rddreg [dreg:$0x5]  }
0x2f: {  	[sflag:s28] =	ssyncadd.s32 $0xFFFFD420;
	s20 =	sshrl.u32 @!p0 s18, $0x3;
	s18 =	rddreg [dreg:$0x6]  }
0x30: {  	[spmem:s20], [sflag:s13] =	dma.local @!p0 [hbm:s18], $0x120  }
0x31: {  	_ =	swait.ge @!p0 [sflag:s21], $0x120  }
0x32: {  	[sflag:s21] =	ssyncset.done @!p0 $0x0  }
0x33: {  	[sflag:s21] =	ssyncadd.s32 @!p0 $0xFFFFFEE0  }
0x34: {  	s24 =	simm.s32 $0x8CA0;
	s22 =	rddreg [dreg:$0x0]  }
0x35: {  	[tilespmem:s24], [sflag:$0x5] =	stream.linear.gather [hbm4b:s22+s4], $0x10, $0x38;
	[tilespmem:$0x1EC40] =	vst v63  }
0x36: {  	_ =	swait.ge [sflag:s28], $0x10  }
0x37: {  	[sflag:s28] =	ssyncset.done $0x0  }
0x38: {  	[sflag:s28] =	ssyncadd.s32 $0xFFFFFFF0  }
0x39: {  	[bflag:$0x0] =	sbarrier.arrive $0xFFFF  }
0x3a: {  	s25 =	rddreg [dreg:$0x7]  }
0x3b: {  	[tilespmem:s4], [sflag:$0x1] =	stream.linear.gather [hbm4b:s25+s4], $0x28, $0x38;
	[tilespmem:$0x1EC40] =	vst v63  }
0x3c: {  	s21 =	rddreg [dreg:$0x8]  }
0x3d: {  	[tilespmem:s30], [sflag:$0x1] =	stream.linear.gather [hbm4b:s21+s4], $0x28, $0x38;
	[tilespmem:$0x1EC40] =	vst v63  }
0x3e: {  	s24 =	simm.s32 $0x32A0;
	s22 =	rddreg [dreg:$0x9]  }
0x3f: {  	[tilespmem:s24], [sflag:$0x1] =	stream.linear.gather [hbm4b:s22+s4], $0x1680, $0x38;
	[tilespmem:$0x1EC40] =	vst v63  }
0x40: {  	s25 =	rddreg [dreg:$0xa]  }
0x41: {  	[tilespmem:s0], [sflag:$0x2] =	stream.linear.gather [hbm4b:s25+s4], $0x28, $0x38;
	[tilespmem:$0x1EC40] =	vst v63  }
0x42: {  	s21 =	rddreg [dreg:$0xb]  }
0x43: {  	[tilespmem:s3], [sflag:$0x2] =	stream.linear.gather [hbm4b:s21+s4], $0x28, $0x38;
	[tilespmem:$0x1EC40] =	vst v63  }
0x44: {  	s22 =	rddreg [dreg:$0xc]  }
0x45: {  	[tilespmem:s29], [sflag:$0x2] =	stream.linear.gather [hbm4b:s22+s4], $0x1680, $0x38;
	[tilespmem:$0x1EC40] =	vst v63  }
0x46: {  	_ =	swait.ge [sflag:s31], $0x28  }
0x47: {  	[sflag:s31] =	ssyncset.done $0x0  }
0x48: {  	[sflag:s31] =	ssyncadd.s32 $0xFFFFFFD8  }
0x49: {  	_ =	swait.ge [sflag:s31], $0x28  }
0x4a: {  	[sflag:s31] =	ssyncset.done $0x0  }
0x4b: {  	[sflag:s31] =	ssyncadd.s32 $0xFFFFFFD8  }
0x4c: {  	_ =	swait.ge [sflag:s31], $0x1680  }
0x4d: {  	[sflag:s31] =	ssyncset.done $0x0  }
0x4e: {  	s24 =	simm.s32 $0x5A0;
	[sflag:s31] =	ssyncadd.s32 $0xFFFFE980  }
0x4f: {  	[tilespmem:s24], [sflag:$0x3] =	stream.indirect.gather [hbm4b:s7+s0], $0x90, s4, s0, $0xb8;
	[tilespmem:$0x1EC40] =	vst v63  }
0x50: {  	s25 =	simm.s32 $0xA0;
	s21 =	simm.s32 $0x0  }
0x51: {  	[tilespmem:s25], [sflag:$0x3] =	stream.indirect.gather [hbm4b:s8+s0], $0x10, s30, s0, $0xb8;
	[tilespmem:$0x1EC40] =	vst v63  }
.LBB2_2:
0x52: {  	_ =	swait.ge [sflag:s1], $0x1680  }
0x53: {  	[sflag:s1] =	ssyncset.done $0x0  }
0x54: {  	[sflag:s1] =	ssyncadd.s32 $0xFFFFE980  }
0x55: {  	_ =	swait.ge [sflag:s1], $0x280  }
0x56: {  	[sflag:s1] =	ssyncset.done $0x0  }
0x57: {  	[sflag:s1] =	ssyncadd.s32 $0xFFFFFD80  }
0x58: {  	_ =	swait.ge [sflag:s11], $0x28  }
0x59: {  	[sflag:s11] =	ssyncset.done $0x0  }
0x5a: {  	[sflag:s11] =	ssyncadd.s32 $0xFFFFFFD8  }
0x5b: {  	_ =	swait.ge [sflag:s11], $0x28  }
0x5c: {  	[sflag:s11] =	ssyncset.done $0x0  }
0x5d: {  	[sflag:s11] =	ssyncadd.s32 $0xFFFFFFD8  }
0x5e: {  	_ =	swait.ge [sflag:s11], $0x1680  }
0x5f: {  	[sflag:s11] =	ssyncset.done $0x0  }
0x60: {  	[sflag:s11] =	ssyncadd.s32 $0xFFFFE980  }
0x61: {  	[tilespmem:s12], [sflag:$0x4] =	stream.indirect.gather [hbm4b:s7+s0], $0x90, s0, s0, $0xb8;
	[tilespmem:$0x1EC40] =	vst v63  }
0x62: {  	_ = 	snop  }
0x63: {  	[tilespmem:s14], [sflag:$0x4] =	stream.indirect.gather [hbm4b:s8+s0], $0x10, s3, s0, $0xb8;
	[tilespmem:$0x1EC40] =	vst v63  }
0x64: {  	s22 =	simm.s32 $0x0;
	v0 =	vld [tilespmem:$0x8CA0]  }
0x65: {  	s24 =	simm.s32 $0xA0;
	s25 =	simm.s32 $0x240;
	v1 =	vld [tilespmem:s22+$0x620]  }
.LBB2_3:
0x66: {  	p1 =	sne.s32 s25, $0x57C0;
	v2 =	vld [tilespmem:s24+$0x0];
	_ =	sdelay $0x1  }
0x67: {  	v3 =	vld [tilespmem:s22+$0x3320];
	_ =	sdelay $0x2  }
0x68: {  	v1 =	vadd.f32 v2, v1;
	_ =	sdelay $0x1  }
0x69: {  	v1 =	vadd.f32 v3, v1;
	_ =	sdelay $0x1  }
0x6a: {  	v2 =	vmul.f32 $2.000000030e-01, v1  }
0x6b: {  	vm0 =	vgt.f32 v1, $0.0e+00  }
0x6c: {  	v1 =	vsel vm0, v1, v2;
	v2 =	vld [tilespmem:s22+$0x5A0]  }
0x6d: {  	v1 =	vsub.f32 v1, v0;
	v3 =	vld [tilespmem:s22+$0x32A0]  }
0x6e: {  	v4 =	vld [tilespmem:s22+$0x5B0]  }
0x6f: {  	v1 =	vmul.f32 $1.442695020e+00, v1;
	v5 =	vld [tilespmem:s22+$0x32B0]  }
0x70: {  	v6 =	vld [tilespmem:s22+$0x5C0]  }
0x71: {  	v7 =	vld [tilespmem:s22+$0x32C0];
	(erf) = vpow2.f32 v1  }
0x72: {  	v1 =	vld [tilespmem:s22+$0x5D0]  }
0x73: {  	v8 =	vld [tilespmem:s22+$0x32D0]  }
0x74: {  	v9 =	vld [tilespmem:s22+$0x5E0]  }
0x75: {  	v10 =	vld [tilespmem:s22+$0x32E0]  }
0x76: {  	v11 =	vld [tilespmem:s22+$0x5F0]  }
0x77: {  	v12 =	vld [tilespmem:s22+$0x32F0]  }
0x78: {  	v13 =	vld [tilespmem:s22+$0x600]  }
0x79: {  	v14 =	vld [tilespmem:s22+$0x3300]  }
0x7a: {  	v2 =	vadd.f32 v3, v2;
	v3 =	vadd.f32 v5, v4;
	v4 =	vld [tilespmem:s22+$0x610];
	v5 =	vpop (erf)  }
0x7b: {  	v6 =	vadd.f32 v7, v6;
	[tilespmem:s22+$0x6020] =	vst v5;
	v15 =	vbroadcast v5, $0x0;
	v16 =	vbroadcast v5, $0x1;
	v7 =	vld [tilespmem:s22+$0x3310]  }
0x7c: {  	v1 =	vadd.f32 v8, v1;
	v17 =	vbroadcast v5, $0x2;
	v18 =	vbroadcast v5, $0x3  }
0x7d: {  	v8 =	vadd.f32 v10, v9;
	v2 =	vmul.f32 v15, v2;
	v3 =	vmul.f32 v16, v3  }
0x7e: {  	v9 =	vadd.f32 v12, v11;
	v6 =	vmul.f32 v6, v17;
	v1 =	vmul.f32 v1, v18  }
0x7f: {  	v10 =	vbroadcast v5, $0x5;
	v11 =	vadd.f32 v14, v13;
	[tilespmem:s22+$0x5FA0] =	vst v2;
	v2 =	vbroadcast v5, $0x4  }
0x80: {  	[tilespmem:s22+$0x5FB0] =	vst v3;
	v3 =	vbroadcast v5, $0x6;
	v5 =	vbroadcast v5, $0x7;
	v4 =	vadd.f32 v7, v4  }
0x81: {  	[tilespmem:s22+$0x5FC0] =	vst v6;
	v2 =	vmul.f32 v8, v2;
	v6 =	vmul.f32 v9, v10  }
.Ltmp2:
0x82: {  	[tilespmem:s22+$0x5FD0] =	vst v1;
	v1 =	vmul.f32 v11, v3;
	v3 =	vmul.f32 v4, v5;
	(pc) =	sbr.rel @p1 .LBB2_3-.Ltmp2, $4  }
0x83: {  	[tilespmem:s22+$0x5FE0] =	vst v2  }
0x84: {  	[tilespmem:s22+$0x5FF0] =	vst v6  }
0x85: {  	s18 =	sshra.s32 s25, $0x2;
	[tilespmem:s22+$0x6000] =	vst v1  }
0x86: {  	s25 =	sadd.s32 $0x240, s25;
	s24 =	sadd.s32 $0x10, s24;
	v1 =	vld [tilespmem:s18+$0x620];
	[tilespmem:s22+$0x6010] =	vst v3;
	s22 =	smov.u32 s18  }
0x87: {  	v2 =	vld [tilespmem:s24+$0x0];
	_ =	sdelay $0x1  }
0x88: {  	v3 =	vld [tilespmem:s22+$0x3320];
	_ =	sdelay $0x2  }
0x89: {  	v1 =	vadd.f32 v2, v1;
	_ =	sdelay $0x1  }
0x8a: {  	v1 =	vadd.f32 v3, v1;
	_ =	sdelay $0x1  }
0x8b: {  	v2 =	vmul.f32 $2.000000030e-01, v1  }
0x8c: {  	vm0 =	vgt.f32 v1, $0.0e+00  }
0x8d: {  	v1 =	vsel vm0, v1, v2  }
0x8e: {  	v0 =	vsub.f32 v1, v0  }
0x8f: {  	v4 =	vld [tilespmem:s22+$0x32B0]  }
0x90: {  	v5 =	vld [tilespmem:s22+$0x5C0];
	v0 =	vmul.f32 $1.442695020e+00, v0  }
0x91: {  	v6 =	vld [tilespmem:s22+$0x5D0]  }
0x92: {  	v7 =	vld [tilespmem:s22+$0x32D0];
	(erf) = vpow2.f32 v0  }
0x93: {  	v8 =	vld [tilespmem:s22+$0x5E0]  }
0x94: {  	v9 =	vld [tilespmem:s22+$0x32E0]  }
0x95: {  	v10 =	vld [tilespmem:s22+$0x5F0]  }
0x96: {  	v2 =	vld [tilespmem:s22+$0x5A0]  }
0x97: {  	v1 =	vld [tilespmem:s22+$0x32A0]  }
0x98: {  	v3 =	vld [tilespmem:s22+$0x5B0]  }
0x99: {  	v0 =	vld [tilespmem:s22+$0x32C0]  }
0x9a: {  	v11 =	vld [tilespmem:s22+$0x32F0]  }
0x9b: {  	v12 =	vld [tilespmem:s22+$0x600];
	v14 =	vpop (erf)  }
0x9c: {  	v13 =	vld [tilespmem:s22+$0x3300];
	v1 =	vadd.f32 v1, v2;
	v15 =	vbroadcast v14, $0x0  }
0x9d: {  	v57 =	vld [tilespmem:s22+$0x3310];
	v3 =	vadd.f32 v4, v3;
	v56 =	vbroadcast v14, $0x1  }
0x9e: {  	v2 =	vld [tilespmem:s22+$0x610];
	v0 =	vadd.f32 v0, v5;
	v16 =	vbroadcast v14, $0x2;
	v1 =	vmul.f32 v15, v1  }
0x9f: {  	v6 =	vadd.f32 v7, v6;
	[tilespmem:s22+$0x6020] =	vst v14;
	v58 =	vbroadcast v14, $0x3;
	v3 =	vmul.f32 v56, v3  }
0xa0: {  	v60 =	vadd.f32 v11, v10;
	v61 =	vbroadcast v14, $0x5;
	v0 =	vmul.f32 v0, v16;
	[tilespmem:s22+$0x5FA0] =	vst v1  }
0xa1: {  	v59 =	vadd.f32 v9, v8;
	v6 =	vmul.f32 v6, v58;
	v1 =	vbroadcast v14, $0x4;
	[tilespmem:s22+$0x5FB0] =	vst v3  }
0xa2: {  	v62 =	vbroadcast v14, $0x6;
	v63 =	vmul.f32 v60, v61;
	v3 =	vadd.f32 v13, v12;
	[tilespmem:s22+$0x5FC0] =	vst v0  }
0xa3: {  	v2 =	vadd.f32 v57, v2;
	[tilespmem:s22+$0x5FD0] =	vst v6;
	v0 =	vmul.f32 v59, v1;
	v1 =	vbroadcast v14, $0x7  }
0xa4: {  	[tilespmem:s22+$0x5FF0] =	vst v63;
	v3 =	vmul.f32 v3, v62  }
0xa5: {  	[tilespmem:s22+$0x5FE0] =	vst v0;
	v0 =	vmul.f32 v2, v1  }
0xa6: {  	[tilespmem:s22+$0x6000] =	vst v3  }
0xa7: {  	[tilespmem:s22+$0x6010] =	vst v0  }
0xa8: {  	[spmem:s2] =	stream.indirect.scatter.add.f32 [tilespmem:s15], [sflag:$0x5], $0x90, s30, s0, $0xb8;
	[tilespmem:$0x1EC40] =	vst v63  }
0xa9: {  	_ =	swait.ge [sflag:s28], $0x1680  }
0xaa: {  	p1 =	seq.s32 s21, $0x7C;
	[sflag:s28] =	ssyncset.done $0x0  }
0xab: {  	s18 =	simm.s32 @p1 $0x4;
	s22 =	sshll.u32 @!p1 s21, $0x5;
	[sflag:s28] =	ssyncadd.s32 $0xFFFFE980  }
0xac: {  	s22 =	sadd.s32 @!p1 s23, s22;
	_ =	swait.ge @p1 [sflag:s18], $0x1680  }
0xad: {  	s22 =	smul.u32 @!p1 $0x28, s22;
	[sflag:s18] =	ssyncset.done @p1 $0x0  }
0xae: {  	[sflag:s18] =	ssyncadd.s32 @p1 $0xFFFFE980  }
0xaf: {  	s22 =	sadd.s32 @!p1 s10, s22;
	_ =	swait.ge @p1 [sflag:s18], $0x280  }
0xb0: {  	s24 =	sshrl.u32 @!p1 s22, $0x3;
	[sflag:s18] =	ssyncset.done @p1 $0x0  }
0xb1: {  	s25 =	simm.s32 @!p1 $0x0;
	[sflag:s18] =	ssyncadd.s32 @p1 $0xFFFFFD80;
	s18 =	sadd.s32 @!p1 s5, s24  }
0xb2: {  	[tilespmem:s25], [sflag:$0x1] =	stream.linear.gather @!p1 [hbm4b:s18+s25], $0x28, $0x38;
	[tilespmem:$0x1EC40] =	vst v63  }
0xb3: {  	s22 =	smul.u32 @!p1 $0x12, s22;
	s18 =	sadd.s32 @!p1 s6, s24;
	s24 =	simm.s32 @!p1 $0x50  }
0xb4: {  	[tilespmem:s24], [sflag:$0x1] =	stream.linear.gather @!p1 [hbm4b:s18+s25], $0x28, $0x38;
	[tilespmem:$0x1EC40] =	vst v63  }
0xb5: {  	s18 =	sadd.s32 @!p1 s9, s22;
	s22 =	simm.s32 @!p1 $0x32A0  }
0xb6: {  	[tilespmem:s22], [sflag:$0x1] =	stream.linear.gather @!p1 [hbm4b:s18+s25], $0x1680, $0x38;
	[tilespmem:$0x1EC40] =	vst v63  }
0xb7: {  	s18 =	simm.s32 @!p1 $0x4  }
0xb8: {  	_ =	swait.ge @!p1 [sflag:s18], $0x1680  }
0xb9: {  	[sflag:s18] =	ssyncset.done @!p1 $0x0  }
0xba: {  	[sflag:s18] =	ssyncadd.s32 @!p1 $0xFFFFE980  }
0xbb: {  	_ =	swait.ge @!p1 [sflag:s18], $0x280  }
0xbc: {  	[sflag:s18] =	ssyncset.done @!p1 $0x0  }
0xbd: {  	[sflag:s18] =	ssyncadd.s32 @!p1 $0xFFFFFD80;
	s18 =	simm.s32 @!p1 $0x1  }
0xbe: {  	_ =	swait.ge @!p1 [sflag:s18], $0x28  }
0xbf: {  	[sflag:s18] =	ssyncset.done @!p1 $0x0  }
0xc0: {  	[sflag:s18] =	ssyncadd.s32 @!p1 $0xFFFFFFD8  }
0xc1: {  	_ =	swait.ge @!p1 [sflag:s18], $0x28  }
0xc2: {  	[sflag:s18] =	ssyncset.done @!p1 $0x0  }
0xc3: {  	[sflag:s18] =	ssyncadd.s32 @!p1 $0xFFFFFFD8  }
0xc4: {  	_ =	swait.ge @!p1 [sflag:s18], $0x1680  }
0xc5: {  	[sflag:s18] =	ssyncset.done @!p1 $0x0  }
0xc6: {  	s22 =	simm.s32 @!p1 $0x5A0;
	[sflag:s18] =	ssyncadd.s32 @!p1 $0xFFFFE980;
	s18 =	simm.s32 @!p1 $0x28  }
0xc7: {  	[tilespmem:s22], [sflag:$0x3] =	stream.indirect.gather @!p1 [hbm4b:s7+s18], $0x90, s25, s18, $0xb8;
	[tilespmem:$0x1EC40] =	vst v63  }
0xc8: {  	s22 =	simm.s32 @!p1 $0xA0  }
0xc9: {  	[tilespmem:s22], [sflag:$0x3] =	stream.indirect.gather @!p1 [hbm4b:s8+s18], $0x10, s24, s18, $0xb8;
	[tilespmem:$0x1EC40] =	vst v63  }
0xca: {  	s22 =	simm.s32 $0x0;
	v0 =	vld [tilespmem:$0x8CA0]  }
0xcb: {  	s25 =	simm.s32 $0x240;
	s24 =	simm.s32 $0x320;
	v1 =	vld [tilespmem:s22+$0x1CA0]  }
.LBB2_5:
0xcc: {  	p2 =	sne.s32 s25, $0x57C0;
	v2 =	vld [tilespmem:s24+$0x0];
	_ =	sdelay $0x1  }
0xcd: {  	v3 =	vld [tilespmem:s22+$0x49A0];
	_ =	sdelay $0x2  }
0xce: {  	v1 =	vadd.f32 v2, v1;
	_ =	sdelay $0x1  }
0xcf: {  	v1 =	vadd.f32 v3, v1;
	_ =	sdelay $0x1  }
0xd0: {  	v2 =	vmul.f32 $2.000000030e-01, v1  }
0xd1: {  	vm0 =	vgt.f32 v1, $0.0e+00  }
0xd2: {  	v1 =	vsel vm0, v1, v2;
	v2 =	vld [tilespmem:s22+$0x1C20]  }
0xd3: {  	v1 =	vsub.f32 v1, v0;
	v3 =	vld [tilespmem:s22+$0x4920]  }
0xd4: {  	v4 =	vld [tilespmem:s22+$0x1C30]  }
0xd5: {  	v1 =	vmul.f32 $1.442695020e+00, v1;
	v5 =	vld [tilespmem:s22+$0x4930]  }
0xd6: {  	v6 =	vld [tilespmem:s22+$0x1C40]  }
0xd7: {  	v7 =	vld [tilespmem:s22+$0x4940];
	(erf) = vpow2.f32 v1  }
0xd8: {  	v1 =	vld [tilespmem:s22+$0x1C50]  }
0xd9: {  	v8 =	vld [tilespmem:s22+$0x4950]  }
0xda: {  	v9 =	vld [tilespmem:s22+$0x1C60]  }
0xdb: {  	v10 =	vld [tilespmem:s22+$0x4960]  }
0xdc: {  	v11 =	vld [tilespmem:s22+$0x1C70]  }
0xdd: {  	v12 =	vld [tilespmem:s22+$0x4970]  }
0xde: {  	v13 =	vld [tilespmem:s22+$0x1C80]  }
0xdf: {  	v14 =	vld [tilespmem:s22+$0x4980]  }
0xe0: {  	v2 =	vadd.f32 v3, v2;
	v3 =	vadd.f32 v5, v4;
	v4 =	vld [tilespmem:s22+$0x1C90];
	v5 =	vpop (erf)  }
0xe1: {  	v6 =	vadd.f32 v7, v6;
	[tilespmem:s22+$0x76A0] =	vst v5;
	v15 =	vbroadcast v5, $0x0;
	v16 =	vbroadcast v5, $0x1;
	v7 =	vld [tilespmem:s22+$0x4990]  }
0xe2: {  	v1 =	vadd.f32 v8, v1;
	v17 =	vbroadcast v5, $0x2;
	v18 =	vbroadcast v5, $0x3  }
0xe3: {  	v8 =	vadd.f32 v10, v9;
	v2 =	vmul.f32 v15, v2;
	v3 =	vmul.f32 v16, v3  }
0xe4: {  	v9 =	vadd.f32 v12, v11;
	v6 =	vmul.f32 v6, v17;
	v1 =	vmul.f32 v1, v18  }
0xe5: {  	v10 =	vbroadcast v5, $0x5;
	v11 =	vadd.f32 v14, v13;
	[tilespmem:s22+$0x7620] =	vst v2;
	v2 =	vbroadcast v5, $0x4  }
0xe6: {  	[tilespmem:s22+$0x7630] =	vst v3;
	v3 =	vbroadcast v5, $0x6;
	v5 =	vbroadcast v5, $0x7;
	v4 =	vadd.f32 v7, v4  }
0xe7: {  	[tilespmem:s22+$0x7640] =	vst v6;
	v2 =	vmul.f32 v8, v2;
	v6 =	vmul.f32 v9, v10  }
.Ltmp3:
0xe8: {  	[tilespmem:s22+$0x7650] =	vst v1;
	v1 =	vmul.f32 v11, v3;
	v3 =	vmul.f32 v4, v5;
	(pc) =	sbr.rel @p2 .LBB2_5-.Ltmp3, $4  }
0xe9: {  	[tilespmem:s22+$0x7660] =	vst v2  }
0xea: {  	[tilespmem:s22+$0x7670] =	vst v6  }
0xeb: {  	s18 =	sshra.s32 s25, $0x2;
	[tilespmem:s22+$0x7680] =	vst v1  }
0xec: {  	s25 =	sadd.s32 $0x240, s25;
	s24 =	sadd.s32 $0x10, s24;
	v1 =	vld [tilespmem:s18+$0x1CA0];
	[tilespmem:s22+$0x7690] =	vst v3;
	s22 =	smov.u32 s18  }
0xed: {  	v2 =	vld [tilespmem:s24+$0x0];
	_ =	sdelay $0x1  }
0xee: {  	v3 =	vld [tilespmem:s22+$0x49A0];
	_ =	sdelay $0x2  }
0xef: {  	v1 =	vadd.f32 v2, v1;
	_ =	sdelay $0x1  }
0xf0: {  	v1 =	vadd.f32 v3, v1;
	_ =	sdelay $0x1  }
0xf1: {  	v45 =	vmul.f32 $2.000000030e-01, v1  }
0xf2: {  	vm0 =	vgt.f32 v1, $0.0e+00  }
0xf3: {  	v1 =	vsel vm0, v1, v45  }
0xf4: {  	v0 =	vsub.f32 v1, v0  }
0xf5: {  	v46 =	vld [tilespmem:s22+$0x1C20]  }
0xf6: {  	v47 =	vld [tilespmem:s22+$0x4920];
	v0 =	vmul.f32 $1.442695020e+00, v0  }
0xf7: {  	v48 =	vld [tilespmem:s22+$0x1C30]  }
0xf8: {  	v4 =	vld [tilespmem:s22+$0x4930];
	(erf) = vpow2.f32 v0  }
0xf9: {  	v5 =	vld [tilespmem:s22+$0x1C40]  }
0xfa: {  	v49 =	vld [tilespmem:s22+$0x4940]  }
0xfb: {  	v6 =	vld [tilespmem:s22+$0x1C50]  }
0xfc: {  	v7 =	vld [tilespmem:s22+$0x4950]  }
0xfd: {  	v8 =	vld [tilespmem:s22+$0x1C60]  }
0xfe: {  	v9 =	vld [tilespmem:s22+$0x4960]  }
0xff: {  	v10 =	vld [tilespmem:s22+$0x1C70]  }
0x100: {  	v11 =	vld [tilespmem:s22+$0x4970]  }
0x101: {  	v12 =	vld [tilespmem:s22+$0x1C80];
	v14 =	vpop (erf)  }
0x102: {  	v50 =	vld [tilespmem:s22+$0x1C90];
	v1 =	vadd.f32 v47, v46;
	v15 =	vbroadcast v14, $0x0  }
0x103: {  	v52 =	vld [tilespmem:s22+$0x4990];
	v3 =	vadd.f32 v4, v48;
	v51 =	vbroadcast v14, $0x1  }
0x104: {  	v13 =	vld [tilespmem:s22+$0x4980];
	v0 =	vadd.f32 v49, v5;
	v16 =	vbroadcast v14, $0x2;
	v1 =	vmul.f32 v15, v1  }
0x105: {  	v6 =	vadd.f32 v7, v6;
	[tilespmem:s22+$0x76A0] =	vst v14;
	v53 =	vbroadcast v14, $0x3;
	v3 =	vmul.f32 v51, v3  }
0x106: {  	v54 =	vadd.f32 v9, v8;
	v55 =	vbroadcast v14, $0x4;
	v0 =	vmul.f32 v0, v16;
	[tilespmem:s22+$0x7620] =	vst v1  }
0x107: {  	v56 =	vadd.f32 v11, v10;
	v57 =	vbroadcast v14, $0x5;
	v6 =	vmul.f32 v6, v53;
	[tilespmem:s22+$0x7630] =	vst v3  }
0x108: {  	v2 =	vadd.f32 v52, v50;
	v61 =	vbroadcast v14, $0x7;
	v60 =	vmul.f32 v54, v55;
	[tilespmem:s22+$0x7640] =	vst v0  }
0x109: {  	v58 =	vadd.f32 v13, v12;
	v59 =	vbroadcast v14, $0x6;
	v62 =	vmul.f32 v56, v57;
	[tilespmem:s22+$0x7650] =	vst v6  }
0x10a: {  	v63 =	vmul.f32 v2, v61;
	[tilespmem:s22+$0x7660] =	vst v60  }
0x10b: {  	v3 =	vmul.f32 v58, v59;
	[tilespmem:s22+$0x7670] =	vst v62  }
0x10c: {  	[tilespmem:s22+$0x7690] =	vst v63  }
.Ltmp4:
0x10d: {  	[tilespmem:s22+$0x7680] =	vst v3;
	(pc) =	sbr.rel @p1 .LBB2_8-.Ltmp4, $4  }
0x10e: {  	[spmem:s2] =	stream.indirect.scatter.add.f32 [tilespmem:s16], [sflag:$0x5], $0x90, s3, s0, $0xb8;
	[tilespmem:$0x1EC40] =	vst v63  }
0x10f: {  	_ =	swait.ge [sflag:s28], $0x1680  }
0x110: {  	[sflag:s28] =	ssyncset.done $0x0  }
0x111: {  	[sflag:s28] =	ssyncadd.s32 $0xFFFFE980  }
0x112: {  	s18 =	sshll.u32 s21, $0x5  }
0x113: {  	s18 =	sadd.s32 s26, s18  }
0x114: {  	s18 =	smul.u32 $0x28, s18;
	_ =	sdelay $0x1  }
0x115: {  	s18 =	sadd.s32 s10, s18  }
0x116: {  	s22 =	sshrl.u32 s18, $0x3  }
0x117: {  	s24 =	sadd.s32 s5, s22  }
0x118: {  	[tilespmem:s0], [sflag:$0x2] =	stream.linear.gather [hbm4b:s24+s4], $0x28, $0x38;
	[tilespmem:$0x1EC40] =	vst v63  }
.Ltmp5:
0x119: {  	_ = 	snop;
	(pc) =	sbr.rel .LBB2_2-.Ltmp5, $4  }
0x11a: {  	s18 =	smul.u32 $0x12, s18;
	s22 =	sadd.s32 s6, s22  }
0x11b: {  	[tilespmem:s3], [sflag:$0x2] =	stream.linear.gather [hbm4b:s22+s4], $0x28, $0x38;
	[tilespmem:$0x1EC40] =	vst v63  }
0x11c: {  	s21 =	sadd.s32 $0x1, s21;
	s18 =	sadd.s32 s9, s18  }
0x11d: {  	[tilespmem:s29], [sflag:$0x2] =	stream.linear.gather [hbm4b:s18+s4], $0x1680, $0x38;
	[tilespmem:$0x1EC40] =	vst v63  }
.LBB2_9:
0x11e: {  	_ =	sfence.sel $0x180000  }
0x11f: {  	[bflag:$0x0] =	sbarrier.arrive $0xFFFF  }
0x120: {  	_ =	strace $0x90000047  }
0x121: {  	s0 =	stileid.u32;
	[bflag:$0x2] =	sbarrier.arrive $0xFFFF  }
0x122: {  	p0 =	sne.s32 s0, $0x0;
	s0 =	rddreg [dreg:$0x2]  }
0x123: {  	s0 =	sadd.s32 @!p0 $0x100000, s0  }
0x124: {  	[sflag:s0] =	ssyncadd.tile.s32 @!p0 $0x1;
	_ =	shalt  }
.Lfunc_end2:
_tile_overlayer_lowered:
.L_overlay_start_2:
0x125: {  	(tag) =	ssettag $0x2  }
0x126: {  	s0 =	rddreg [dreg:$0x0];
	s2 =	stileid.u32  }
0x127: {  	s1 =	rddreg [dreg:$0x1];
	p0 =	sne.s32 s2, $0x0  }
0x128: {  	s3 =	rddreg [dreg:$0x2];
	[bflag:$0x3] =	sbarrier.arrive $0xFFFF;
	s2 =	simm.s32 @!p0 $0x1C05  }
0x129: {  	[timem:s3], [sflag:s2] =	dma.local @!p0 [hbm:s0], s1  }
0x12a: {  	s0 =	simm.s32 @!p0 $0x5  }
0x12b: {  	_ =	swait.ge @!p0 [sflag:s0], s1  }
0x12c: {  	s1 =	ssub.s32 @!p0 $0x0, s1;
	[sflag:s0] =	ssyncset.done @!p0 $0x0  }
0x12d: {  	[sflag:s0] =	ssyncadd.s32 @!p0 s1  }
0x12e: {  	[bflag:$0x3] =	sbarrier.arrive $0xFFFF  }
0x12f: {  	_ =	shalt  }

</sc_bundles>
